<compile_context>
chip_gen: v7x
topology: tpu7x:2x2x1
jax: 0.10.2.dev20260603
libtpu: 0.0.44.dev20260713+nightly
codegen_flags: <defaults>
</compile_context>

<pallas_src>
import functools

import jax
import jax.numpy as jnp
from jax import lax
from jax.experimental import pallas as pl
from jax.experimental.pallas import tpu as pltpu
from jax.experimental.pallas import tpu_sc as plsc

CHUNK = 128
NBUF = 4
AHEAD = 3


def _build(H, V, D, NB):
    info = plsc.get_sparse_core_info()
    NC, NS = info.num_cores, info.num_subcores
    NW = NC * NS
    n_blocks = H * NB
    assert n_blocks % NW == 0
    blocks_per_w = n_blocks // NW
    scale = float(D) ** 0.5
    DT = D // 8

    mesh = plsc.VectorSubcoreMesh(core_axis_name="c", subcore_axis_name="s")

    @functools.partial(
        pl.kernel,
        out_type=jax.ShapeDtypeStruct((H, DT, NB, 8, 128), jnp.float32),
        mesh=mesh,
        compiler_params=pltpu.CompilerParams(
            use_tc_tiling_on_sc=False, needs_layout_passes=False
        ),
        scratch_types=[
            pltpu.VMEM((blocks_per_w, CHUNK), jnp.int32),
            pltpu.VMEM((NBUF, CHUNK, D), jnp.float32),
            pltpu.VMEM((NBUF, DT, 8, 128), jnp.float32),
            pltpu.SemaphoreType.DMA((NBUF,)),
            pltpu.SemaphoreType.DMA((NBUF,)),
        ],
    )
    def emb_kernel(table_hbm, idx_hbm, out_hbm, idx_v, buf, obuf, gsem, osem):
        wid = lax.axis_index("s") * NC + lax.axis_index("c")
        blk_base = wid * blocks_per_w

        pltpu.sync_copy(idx_hbm.at[pl.ds(blk_base, blocks_per_w)], idx_v)

        def fire_gather(j, p):
            pltpu.async_copy(table_hbm.at[idx_v.at[j]], buf.at[p], gsem.at[p])

        def wait_gather(j, p):
            pltpu.make_async_copy(
                table_hbm.at[idx_v.at[j]], buf.at[p], gsem.at[p]
            ).wait()

        def out_slice(j):
            b = blk_base + j
            return out_hbm.at[b // NB, :, b % NB]

        for j in range(AHEAD):
            fire_gather(j, j)

        lane0 = [lax.iota(jnp.int32, 16) + (16 * k) for k in range(CHUNK // 16)]
        zero16 = jnp.zeros((16,), jnp.int32)

        def body(j, carry):
            p = lax.rem(j, NBUF)
            wait_gather(j, p)

            @pl.when(j >= NBUF)
            def _():
                pltpu.make_async_copy(obuf.at[p], out_slice(j), osem.at[p]).wait()

            @plsc.parallel_loop(0, D, unroll=D)
            def _(d):
                a = d // 8
                s = lax.rem(d, 8)
                col = zero16 + d
                for k in range(CHUNK // 16):
                    vals = plsc.load_gather(buf.at[p], [lane0[k], col])
                    obuf[p, a, s, pl.ds(16 * k, 16)] = vals * scale

            pltpu.async_copy(obuf.at[p], out_slice(j), osem.at[p])

            @pl.when(j + AHEAD < blocks_per_w)
            def _():
                fire_gather(j + AHEAD, lax.rem(j + AHEAD, NBUF))

            return carry

        lax.fori_loop(0, blocks_per_w, body, 0)

        for p in range(NBUF):
            pltpu.make_async_copy(obuf.at[p], out_slice(0), osem.at[p]).wait()

    return emb_kernel


def kernel(X, weight):
    batch, hist = X.shape
    vocab, d = weight.shape
    nb = batch // 128
    idx = jnp.swapaxes(X, 0, 1).reshape(hist * nb, 128).astype(jnp.int32)
    emb_kernel = _build(hist, vocab, d, nb)
    k = emb_kernel(weight, idx)
    return k.transpose(2, 4, 0, 1, 3).reshape(batch, hist, d)

# --- scband reference (transcript-rebuilt; emitter-appended) ---
"""Pipeline reference for scband-embedding-layer-68985764708883 (READ-ONLY COPY).

The authoritative reference and input builder live on the scoring server;
editing this copy changes nothing except your own understanding.
"""

import jax, jax.numpy as jnp
import numpy as np

VOCAB = 1000000
EMBED_DIM = 64
BATCH = 16384
HIST = 50

def setup_inputs(seed: int = 0) -> dict:
    key = jax.random.key(seed)
    k1, k2 = jax.random.split(key)
    X = jax.random.randint(k1, (BATCH, HIST), 0, VOCAB, dtype=jnp.int64 if jax.config.jax_enable_x64 else jnp.int32)
    weight = jax.random.normal(k2, (VOCAB, EMBED_DIM), dtype=jnp.float32)
    return {"X": X, "weight": weight}

def reference(X, weight):
    scaled = EMBED_DIM ** 0.5
    emb = jnp.take(weight, X, axis=0)
    return emb * scaled

if __name__ == "__main__":
    import jax
    _d = setup_inputs()
    print(jax.jit(kernel)(*tuple(_d.values())))

</pallas_src>

<mosaic_0001>
#map = affine_map<(d0, d1) -> (0, 0)>
#map1 = affine_map<(d0, d1) -> (0, 0, 0, 0, 0)>
module attributes {stable_mosaic.version = 14 : i64} {
  func.func @emb_kernel(%arg0: i32, %arg1: i32, %arg2: memref<1000000x64xf32, #tpu.memory_space<hbm>>, %arg3: memref<6400x128xi32, #tpu.memory_space<hbm>>, %arg4: memref<50x8x128x8x128xf32, #tpu.memory_space<hbm>>, %arg5: memref<200x128xi32, #tpu.memory_space<vmem>>, %arg6: memref<4x128x64xf32, #tpu.memory_space<vmem>>, %arg7: memref<4x8x8x128xf32, #tpu.memory_space<vmem>>, %arg8: memref<4x!tpu.dma_semaphore, #tpu.memory_space<semaphore_mem>>, %arg9: memref<4x!tpu.dma_semaphore, #tpu.memory_space<semaphore_mem>>) attributes {dimension_semantics = [#tpu.dimension_semantics<core_parallel>, #tpu.dimension_semantics<subcore_parallel>], iteration_bounds = array<i64: 2, 16>, scalar_prefetch = 0 : i64, scratch_operands = 5 : i64, tpu.core_type = #tpu.core_type<sc_vector_subcore>, window_params = [{transform_indices = #map}, {transform_indices = #map}, {transform_indices = #map1}]} {
    %mul3A = arith.constant 2 : i32
    %mul3A_0 = arith.muli %arg1, %mul3A : i32
    %add3A = arith.addi %mul3A_0, %arg0 : i32
    %mul3A_1 = arith.constant 200 : i32
    %mul3A_2 = arith.muli %add3A, %mul3A_1 : i32
    "tpu.region"() ({
      %run_scoped3A = tpu.sem_alloc : memref<!tpu.dma_semaphore, #tpu.memory_space<semaphore_mem>>
      %dma_start3A_337 = arith.constant 0 : i32
      %dma_start3A_338 = tpu.memref_slice %arg3[%mul3A_2, %dma_start3A_337] : memref<6400x128xi32, #tpu.memory_space<hbm>> -> memref<200x128xi32, #tpu.memory_space<hbm>>
      %dma_start3A_339 = arith.constant 0 : i32
      %dma_start3A_340 = tpu.memref_slice %arg3[%mul3A_2, %dma_start3A_339] : memref<6400x128xi32, #tpu.memory_space<hbm>> -> memref<200x128xi32, #tpu.memory_space<hbm>>
      tpu.enqueue_dma source(%dma_start3A_340 : memref<200x128xi32, #tpu.memory_space<hbm>>) target(%arg5 : memref<200x128xi32, #tpu.memory_space<vmem>>) target_semaphore(%run_scoped3A : memref<!tpu.dma_semaphore, #tpu.memory_space<semaphore_mem>>)
      %dma_wait3A_341 = arith.constant 0 : i32
      %dma_wait3A_342 = tpu.memref_slice %arg3[%mul3A_2, %dma_wait3A_341] : memref<6400x128xi32, #tpu.memory_space<hbm>> -> memref<200x128xi32, #tpu.memory_space<hbm>>
      %dma_wait3A_343 = arith.constant 0 : i32
      %dma_wait3A_344 = tpu.memref_slice %arg3[%mul3A_2, %dma_wait3A_343] : memref<6400x128xi32, #tpu.memory_space<hbm>> -> memref<200x128xi32, #tpu.memory_space<hbm>>
      tpu.wait_dma2 semaphore(%run_scoped3A : memref<!tpu.dma_semaphore, #tpu.memory_space<semaphore_mem>>) src(%dma_wait3A_344 : memref<200x128xi32, #tpu.memory_space<hbm>>) dst(%arg5 : memref<200x128xi32, #tpu.memory_space<vmem>>)
      tpu.yield
    }) : () -> ()
    %dma_start3A = arith.constant 0 : i32
    %dma_start3A_3 = arith.constant 0 : i32
    %dma_start3A_4 = arith.constant 0 : i32
    %dma_start3A_5 = arith.constant 0 : i32
    %dma_start3A_6 = arith.constant 0 : i32
    %dma_start3A_7 = tpu.memref_slice %arg6[%dma_start3A_3, %dma_start3A_5, %dma_start3A_6] : memref<4x128x64xf32, #tpu.memory_space<vmem>> -> memref<1x128x64xf32, #tpu.memory_space<vmem>>
    %dma_start3A_8 = tpu.memref_squeeze %dma_start3A_7 : memref<1x128x64xf32, #tpu.memory_space<vmem>> -> memref<128x64xf32, #tpu.memory_space<vmem>>
    %dma_start3A_9 = arith.constant 0 : i32
    %dma_start3A_10 = tpu.memref_slice %arg5[%dma_start3A, %dma_start3A_9] : memref<200x128xi32, #tpu.memory_space<vmem>> -> memref<1x128xi32, #tpu.memory_space<vmem>>
    %dma_start3A_11 = tpu.memref_squeeze %dma_start3A_10 : memref<1x128xi32, #tpu.memory_space<vmem>> -> memref<128xi32, #tpu.memory_space<vmem>>
    %dma_start3A_12 = arith.constant 0 : i32
    %dma_start3A_13 = arith.constant 0 : i32
    %dma_start3A_14 = tpu.memref_slice %arg2[%dma_start3A_12, %dma_start3A_13] : memref<1000000x64xf32, #tpu.memory_space<hbm>> -> memref<1000000x64xf32, #tpu.memory_space<hbm>>
    %dma_start3A_15 = tpu.memref_slice %arg8[%dma_start3A_4] : memref<4x!tpu.dma_semaphore, #tpu.memory_space<semaphore_mem>> -> memref<1x!tpu.dma_semaphore, #tpu.memory_space<semaphore_mem>>
    %dma_start3A_16 = tpu.memref_squeeze %dma_start3A_15 : memref<1x!tpu.dma_semaphore, #tpu.memory_space<semaphore_mem>> -> memref<!tpu.dma_semaphore, #tpu.memory_space<semaphore_mem>>
    tpu.enqueue_indirect_dma source(%dma_start3A_14 : memref<1000000x64xf32, #tpu.memory_space<hbm>>) target(%dma_start3A_8 : memref<128x64xf32, #tpu.memory_space<vmem>>) offsets(%dma_start3A_11 : memref<128xi32, #tpu.memory_space<vmem>>) semaphore(%dma_start3A_16 : memref<!tpu.dma_semaphore, #tpu.memory_space<semaphore_mem>>)
    %dma_start3A_17 = arith.constant 1 : i32
    %dma_start3A_18 = arith.constant 1 : i32
    %dma_start3A_19 = arith.constant 1 : i32
    %dma_start3A_20 = arith.constant 0 : i32
    %dma_start3A_21 = arith.constant 0 : i32
    %dma_start3A_22 = tpu.memref_slice %arg6[%dma_start3A_18, %dma_start3A_20, %dma_start3A_21] : memref<4x128x64xf32, #tpu.memory_space<vmem>> -> memref<1x128x64xf32, #tpu.memory_space<vmem>>
    %dma_start3A_23 = tpu.memref_squeeze %dma_start3A_22 : memref<1x128x64xf32, #tpu.memory_space<vmem>> -> memref<128x64xf32, #tpu.memory_space<vmem>>
    %dma_start3A_24 = arith.constant 0 : i32
    %dma_start3A_25 = tpu.memref_slice %arg5[%dma_start3A_17, %dma_start3A_24] : memref<200x128xi32, #tpu.memory_space<vmem>> -> memref<1x128xi32, #tpu.memory_space<vmem>>
    %dma_start3A_26 = tpu.memref_squeeze %dma_start3A_25 : memref<1x128xi32, #tpu.memory_space<vmem>> -> memref<128xi32, #tpu.memory_space<vmem>>
    %dma_start3A_27 = arith.constant 0 : i32
    %dma_start3A_28 = arith.constant 0 : i32
    %dma_start3A_29 = tpu.memref_slice %arg2[%dma_start3A_27, %dma_start3A_28] : memref<1000000x64xf32, #tpu.memory_space<hbm>> -> memref<1000000x64xf32, #tpu.memory_space<hbm>>
    %dma_start3A_30 = tpu.memref_slice %arg8[%dma_start3A_19] : memref<4x!tpu.dma_semaphore, #tpu.memory_space<semaphore_mem>> -> memref<1x!tpu.dma_semaphore, #tpu.memory_space<semaphore_mem>>
    %dma_start3A_31 = tpu.memref_squeeze %dma_start3A_30 : memref<1x!tpu.dma_semaphore, #tpu.memory_space<semaphore_mem>> -> memref<!tpu.dma_semaphore, #tpu.memory_space<semaphore_mem>>
    tpu.enqueue_indirect_dma source(%dma_start3A_29 : memref<1000000x64xf32, #tpu.memory_space<hbm>>) target(%dma_start3A_23 : memref<128x64xf32, #tpu.memory_space<vmem>>) offsets(%dma_start3A_26 : memref<128xi32, #tpu.memory_space<vmem>>) semaphore(%dma_start3A_31 : memref<!tpu.dma_semaphore, #tpu.memory_space<semaphore_mem>>)
    %dma_start3A_32 = arith.constant 2 : i32
    %dma_start3A_33 = arith.constant 2 : i32
    %dma_start3A_34 = arith.constant 2 : i32
    %dma_start3A_35 = arith.constant 0 : i32
    %dma_start3A_36 = arith.constant 0 : i32
    %dma_start3A_37 = tpu.memref_slice %arg6[%dma_start3A_33, %dma_start3A_35, %dma_start3A_36] : memref<4x128x64xf32, #tpu.memory_space<vmem>> -> memref<1x128x64xf32, #tpu.memory_space<vmem>>
    %dma_start3A_38 = tpu.memref_squeeze %dma_start3A_37 : memref<1x128x64xf32, #tpu.memory_space<vmem>> -> memref<128x64xf32, #tpu.memory_space<vmem>>
    %dma_start3A_39 = arith.constant 0 : i32
    %dma_start3A_40 = tpu.memref_slice %arg5[%dma_start3A_32, %dma_start3A_39] : memref<200x128xi32, #tpu.memory_space<vmem>> -> memref<1x128xi32, #tpu.memory_space<vmem>>
    %dma_start3A_41 = tpu.memref_squeeze %dma_start3A_40 : memref<1x128xi32, #tpu.memory_space<vmem>> -> memref<128xi32, #tpu.memory_space<vmem>>
    %dma_start3A_42 = arith.constant 0 : i32
    %dma_start3A_43 = arith.constant 0 : i32
    %dma_start3A_44 = tpu.memref_slice %arg2[%dma_start3A_42, %dma_start3A_43] : memref<1000000x64xf32, #tpu.memory_space<hbm>> -> memref<1000000x64xf32, #tpu.memory_space<hbm>>
    %dma_start3A_45 = tpu.memref_slice %arg8[%dma_start3A_34] : memref<4x!tpu.dma_semaphore, #tpu.memory_space<semaphore_mem>> -> memref<1x!tpu.dma_semaphore, #tpu.memory_space<semaphore_mem>>
    %dma_start3A_46 = tpu.memref_squeeze %dma_start3A_45 : memref<1x!tpu.dma_semaphore, #tpu.memory_space<semaphore_mem>> -> memref<!tpu.dma_semaphore, #tpu.memory_space<semaphore_mem>>
    tpu.enqueue_indirect_dma source(%dma_start3A_44 : memref<1000000x64xf32, #tpu.memory_space<hbm>>) target(%dma_start3A_38 : memref<128x64xf32, #tpu.memory_space<vmem>>) offsets(%dma_start3A_41 : memref<128xi32, #tpu.memory_space<vmem>>) semaphore(%dma_start3A_46 : memref<!tpu.dma_semaphore, #tpu.memory_space<semaphore_mem>>)
    %iota3A = tpu.iota {dimensions = array<i32: 0>} : vector<16xi32>
    %add3A_47 = arith.constant 0 : i32
    %add3A_48 = vector.broadcast %add3A_47 : i32 to vector<16xi32>
    %add3A_49 = arith.addi %iota3A, %add3A_48 : vector<16xi32>
    %iota3A_50 = tpu.iota {dimensions = array<i32: 0>} : vector<16xi32>
    %add3A_51 = arith.constant 16 : i32
    %add3A_52 = vector.broadcast %add3A_51 : i32 to vector<16xi32>
    %add3A_53 = arith.addi %iota3A_50, %add3A_52 : vector<16xi32>
    %iota3A_54 = tpu.iota {dimensions = array<i32: 0>} : vector<16xi32>
    %add3A_55 = arith.constant 32 : i32
    %add3A_56 = vector.broadcast %add3A_55 : i32 to vector<16xi32>
    %add3A_57 = arith.addi %iota3A_54, %add3A_56 : vector<16xi32>
    %iota3A_58 = tpu.iota {dimensions = array<i32: 0>} : vector<16xi32>
    %add3A_59 = arith.constant 48 : i32
    %add3A_60 = vector.broadcast %add3A_59 : i32 to vector<16xi32>
    %add3A_61 = arith.addi %iota3A_58, %add3A_60 : vector<16xi32>
    %iota3A_62 = tpu.iota {dimensions = array<i32: 0>} : vector<16xi32>
    %add3A_63 = arith.constant 64 : i32
    %add3A_64 = vector.broadcast %add3A_63 : i32 to vector<16xi32>
    %add3A_65 = arith.addi %iota3A_62, %add3A_64 : vector<16xi32>
    %iota3A_66 = tpu.iota {dimensions = array<i32: 0>} : vector<16xi32>
    %add3A_67 = arith.constant 80 : i32
    %add3A_68 = vector.broadcast %add3A_67 : i32 to vector<16xi32>
    %add3A_69 = arith.addi %iota3A_66, %add3A_68 : vector<16xi32>
    %iota3A_70 = tpu.iota {dimensions = array<i32: 0>} : vector<16xi32>
    %add3A_71 = arith.constant 96 : i32
    %add3A_72 = vector.broadcast %add3A_71 : i32 to vector<16xi32>
    %add3A_73 = arith.addi %iota3A_70, %add3A_72 : vector<16xi32>
    %iota3A_74 = tpu.iota {dimensions = array<i32: 0>} : vector<16xi32>
    %add3A_75 = arith.constant 112 : i32
    %add3A_76 = vector.broadcast %add3A_75 : i32 to vector<16xi32>
    %add3A_77 = arith.addi %iota3A_74, %add3A_76 : vector<16xi32>
    %broadcast_in_dim3A = arith.constant 0 : i32
    %broadcast_in_dim3A_78 = vector.broadcast %broadcast_in_dim3A : i32 to vector<16xi32>
    %scan3A = arith.constant 0 : i32
    %scan3A_79 = arith.constant 0 : i32
    %scan3A_80 = arith.constant 200 : i32
    %scan3A_81 = arith.addi %scan3A_79, %scan3A_80 : i32
    %scan3A_82 = arith.constant 1 : i32
    scf.for %scan3A_337 = %scan3A_79 to %scan3A_81 step %scan3A_82  : i32 {
      %rem3A_338 = arith.constant 4 : i32
      %rem3A_339 = arith.remsi %scan3A_337, %rem3A_338 : i32
      %dma_wait3A_340 = arith.constant 0 : i32
      %dma_wait3A_341 = arith.constant 0 : i32
      %dma_wait3A_342 = tpu.memref_slice %arg6[%rem3A_339, %dma_wait3A_340, %dma_wait3A_341] : memref<4x128x64xf32, #tpu.memory_space<vmem>> -> memref<1x128x64xf32, #tpu.memory_space<vmem>>
      %dma_wait3A_343 = tpu.memref_squeeze %dma_wait3A_342 : memref<1x128x64xf32, #tpu.memory_space<vmem>> -> memref<128x64xf32, #tpu.memory_space<vmem>>
      %dma_wait3A_344 = arith.constant 0 : i32
      %dma_wait3A_345 = tpu.memref_slice %arg5[%scan3A_337, %dma_wait3A_344] : memref<200x128xi32, #tpu.memory_space<vmem>> -> memref<1x128xi32, #tpu.memory_space<vmem>>
      %dma_wait3A_346 = tpu.memref_squeeze %dma_wait3A_345 : memref<1x128xi32, #tpu.memory_space<vmem>> -> memref<128xi32, #tpu.memory_space<vmem>>
      %dma_wait3A_347 = arith.constant 0 : i32
      %dma_wait3A_348 = arith.constant 0 : i32
      %dma_wait3A_349 = tpu.memref_slice %arg2[%dma_wait3A_347, %dma_wait3A_348] : memref<1000000x64xf32, #tpu.memory_space<hbm>> -> memref<1000000x64xf32, #tpu.memory_space<hbm>>
      %dma_wait3A_350 = tpu.memref_slice %arg8[%rem3A_339] : memref<4x!tpu.dma_semaphore, #tpu.memory_space<semaphore_mem>> -> memref<1x!tpu.dma_semaphore, #tpu.memory_space<semaphore_mem>>
      %dma_wait3A_351 = tpu.memref_squeeze %dma_wait3A_350 : memref<1x!tpu.dma_semaphore, #tpu.memory_space<semaphore_mem>> -> memref<!tpu.dma_semaphore, #tpu.memory_space<semaphore_mem>>
      tpu.wait_indirect_dma semaphore(%dma_wait3A_351 : memref<!tpu.dma_semaphore, #tpu.memory_space<semaphore_mem>>) src(%dma_wait3A_349 : memref<1000000x64xf32, #tpu.memory_space<hbm>>) dst(%dma_wait3A_343 : memref<128x64xf32, #tpu.memory_space<vmem>>)
      %ge3A = arith.constant 4 : i32
      %ge3A_352 = arith.cmpi sge, %scan3A_337, %ge3A : i32
      %convert_element_type3A = arith.extui %ge3A_352 : i1 to i32
      %cond3A = arith.constant 0 : i32
      %cond3A_353 = arith.cmpi ne, %convert_element_type3A, %cond3A : i32
      scf.if %cond3A_353 {
        %add3A_426 = arith.addi %mul3A_2, %scan3A_337 : i32
        %jit3A_427 = arith.constant 128 : i32
        %div3A_428 = arith.divsi %add3A_426, %jit3A_427 : i32
        %sign3A_429 = arith.constant 0 : i32
        %sign3A_430 = arith.cmpi sgt, %add3A_426, %sign3A_429 : i32
        %sign3A_431 = arith.extui %sign3A_430 : i1 to i32
        %sign3A_432 = arith.constant 0 : i32
        %sign3A_433 = arith.cmpi slt, %add3A_426, %sign3A_432 : i32
        %sign3A_434 = arith.extui %sign3A_433 : i1 to i32
        %sign3A_435 = arith.subi %sign3A_431, %sign3A_434 : i32
        %sign3A_436 = arith.constant 0 : i32
        %sign3A_437 = arith.cmpi sgt, %jit3A_427, %sign3A_436 : i32
        %sign3A_438 = arith.extui %sign3A_437 : i1 to i32
        %sign3A_439 = arith.constant 0 : i32
        %sign3A_440 = arith.cmpi slt, %jit3A_427, %sign3A_439 : i32
        %sign3A_441 = arith.extui %sign3A_440 : i1 to i32
        %sign3A_442 = arith.subi %sign3A_438, %sign3A_441 : i32
        %ne3A_443 = arith.cmpi ne, %sign3A_435, %sign3A_442 : i32
        %rem3A_444 = arith.remsi %add3A_426, %jit3A_427 : i32
        %ne3A_445 = arith.constant 0 : i32
        %ne3A_446 = arith.cmpi ne, %rem3A_444, %ne3A_445 : i32
        %and3A_447 = arith.andi %ne3A_443, %ne3A_446 : i1
        %sub3A_448 = arith.constant 1 : i32
        %sub3A_449 = arith.subi %div3A_428, %sub3A_448 : i32
        %select_n3A_450 = arith.select %and3A_447, %sub3A_449, %div3A_428 : i32
        %jit3A_451 = arith.constant 128 : i32
        %eq3A_452 = arith.constant 0 : i32
        %eq3A_453 = arith.cmpi eq, %jit3A_451, %eq3A_452 : i32
        %jit3A_454 = arith.constant 1 : i32
        %select_n3A_455 = arith.select %eq3A_453, %jit3A_454, %jit3A_451 : i32
        %rem3A_456 = arith.remsi %add3A_426, %select_n3A_455 : i32
        %ne3A_457 = arith.constant 0 : i32
        %ne3A_458 = arith.cmpi ne, %rem3A_456, %ne3A_457 : i32
        %lt3A_459 = arith.constant 0 : i32
        %lt3A_460 = arith.cmpi slt, %rem3A_456, %lt3A_459 : i32
        %lt3A_461 = arith.constant 0 : i32
        %lt3A_462 = arith.cmpi slt, %select_n3A_455, %lt3A_461 : i32
        %ne3A_463 = arith.xori %lt3A_460, %lt3A_462 : i1
        %and3A_464 = arith.andi %ne3A_463, %ne3A_458 : i1
        %add3A_465 = arith.addi %rem3A_456, %select_n3A_455 : i32
        %select_n3A_466 = arith.select %and3A_464, %add3A_465, %rem3A_456 : i32
        %dma_wait3A_467 = arith.constant 0 : i32
        %dma_wait3A_468 = arith.constant 0 : i32
        %dma_wait3A_469 = arith.constant 0 : i32
        %dma_wait3A_470 = tpu.memref_slice %arg7[%rem3A_339, %dma_wait3A_467, %dma_wait3A_468, %dma_wait3A_469] : memref<4x8x8x128xf32, #tpu.memory_space<vmem>> -> memref<1x8x8x128xf32, #tpu.memory_space<vmem>>
        %dma_wait3A_471 = tpu.memref_squeeze %dma_wait3A_470 : memref<1x8x8x128xf32, #tpu.memory_space<vmem>> -> memref<8x8x128xf32, #tpu.memory_space<vmem>>
        %dma_wait3A_472 = arith.constant 0 : i32
        %dma_wait3A_473 = arith.constant 0 : i32
        %dma_wait3A_474 = arith.constant 0 : i32
        %dma_wait3A_475 = tpu.memref_slice %arg4[%select_n3A_450, %dma_wait3A_472, %select_n3A_466, %dma_wait3A_473, %dma_wait3A_474] : memref<50x8x128x8x128xf32, #tpu.memory_space<hbm>> -> memref<1x8x1x8x128xf32, #tpu.memory_space<hbm>>
        %dma_wait3A_476 = tpu.memref_squeeze %dma_wait3A_475 : memref<1x8x1x8x128xf32, #tpu.memory_space<hbm>> -> memref<8x8x128xf32, #tpu.memory_space<hbm>>
        %dma_wait3A_477 = tpu.memref_slice %arg9[%rem3A_339] : memref<4x!tpu.dma_semaphore, #tpu.memory_space<semaphore_mem>> -> memref<1x!tpu.dma_semaphore, #tpu.memory_space<semaphore_mem>>
        %dma_wait3A_478 = tpu.memref_squeeze %dma_wait3A_477 : memref<1x!tpu.dma_semaphore, #tpu.memory_space<semaphore_mem>> -> memref<!tpu.dma_semaphore, #tpu.memory_space<semaphore_mem>>
        %dma_wait3A_479 = arith.constant 0 : i32
        %dma_wait3A_480 = arith.constant 0 : i32
        %dma_wait3A_481 = arith.constant 0 : i32
        %dma_wait3A_482 = tpu.memref_slice %arg4[%select_n3A_450, %dma_wait3A_479, %select_n3A_466, %dma_wait3A_480, %dma_wait3A_481] : memref<50x8x128x8x128xf32, #tpu.memory_space<hbm>> -> memref<1x8x1x8x128xf32, #tpu.memory_space<hbm>>
        %dma_wait3A_483 = tpu.memref_squeeze %dma_wait3A_482 : memref<1x8x1x8x128xf32, #tpu.memory_space<hbm>> -> memref<8x8x128xf32, #tpu.memory_space<hbm>>
        %dma_wait3A_484 = arith.constant 0 : i32
        %dma_wait3A_485 = arith.constant 0 : i32
        %dma_wait3A_486 = arith.constant 0 : i32
        %dma_wait3A_487 = tpu.memref_slice %arg7[%rem3A_339, %dma_wait3A_484, %dma_wait3A_485, %dma_wait3A_486] : memref<4x8x8x128xf32, #tpu.memory_space<vmem>> -> memref<1x8x8x128xf32, #tpu.memory_space<vmem>>
        %dma_wait3A_488 = tpu.memref_squeeze %dma_wait3A_487 : memref<1x8x8x128xf32, #tpu.memory_space<vmem>> -> memref<8x8x128xf32, #tpu.memory_space<vmem>>
        tpu.wait_dma2 semaphore(%dma_wait3A_478 : memref<!tpu.dma_semaphore, #tpu.memory_space<semaphore_mem>>) src(%dma_wait3A_488 : memref<8x8x128xf32, #tpu.memory_space<vmem>>) dst(%dma_wait3A_483 : memref<8x8x128xf32, #tpu.memory_space<hbm>>)
      } else {
      }
      %parallel_loop3A = arith.constant 0 : i32
      %parallel_loop3A_354 = arith.constant 64 : i32
      %parallel_loop3A_355 = arith.constant 1 : i32
      scf.for %parallel_loop3A_426 = %parallel_loop3A to %parallel_loop3A_354 step %parallel_loop3A_355  : i32 {
        %parallel_loop3A_427 = arith.constant 8 : i32
        %parallel_loop3A_428 = arith.divsi %parallel_loop3A_426, %parallel_loop3A_427 : i32
        %parallel_loop3A_429 = arith.constant 0 : i32
        %parallel_loop3A_430 = arith.cmpi sgt, %parallel_loop3A_426, %parallel_loop3A_429 : i32
        %parallel_loop3A_431 = arith.extui %parallel_loop3A_430 : i1 to i32
        %parallel_loop3A_432 = arith.constant 0 : i32
        %parallel_loop3A_433 = arith.cmpi slt, %parallel_loop3A_426, %parallel_loop3A_432 : i32
        %parallel_loop3A_434 = arith.extui %parallel_loop3A_433 : i1 to i32
        %parallel_loop3A_435 = arith.subi %parallel_loop3A_431, %parallel_loop3A_434 : i32
        %parallel_loop3A_436 = arith.constant 0 : i32
        %parallel_loop3A_437 = arith.cmpi sgt, %parallel_loop3A_427, %parallel_loop3A_436 : i32
        %parallel_loop3A_438 = arith.extui %parallel_loop3A_437 : i1 to i32
        %parallel_loop3A_439 = arith.constant 0 : i32
        %parallel_loop3A_440 = arith.cmpi slt, %parallel_loop3A_427, %parallel_loop3A_439 : i32
        %parallel_loop3A_441 = arith.extui %parallel_loop3A_440 : i1 to i32
        %parallel_loop3A_442 = arith.subi %parallel_loop3A_438, %parallel_loop3A_441 : i32
        %parallel_loop3A_443 = arith.cmpi ne, %parallel_loop3A_435, %parallel_loop3A_442 : i32
        %parallel_loop3A_444 = arith.remsi %parallel_loop3A_426, %parallel_loop3A_427 : i32
        %parallel_loop3A_445 = arith.constant 0 : i32
        %parallel_loop3A_446 = arith.cmpi ne, %parallel_loop3A_444, %parallel_loop3A_445 : i32
        %parallel_loop3A_447 = arith.andi %parallel_loop3A_443, %parallel_loop3A_446 : i1
        %parallel_loop3A_448 = arith.constant 1 : i32
        %parallel_loop3A_449 = arith.subi %parallel_loop3A_428, %parallel_loop3A_448 : i32
        %parallel_loop3A_450 = arith.select %parallel_loop3A_447, %parallel_loop3A_449, %parallel_loop3A_428 : i32
        %parallel_loop3A_451 = arith.constant 8 : i32
        %parallel_loop3A_452 = arith.remsi %parallel_loop3A_426, %parallel_loop3A_451 : i32
        %parallel_loop3A_453 = vector.broadcast %parallel_loop3A_426 : i32 to vector<16xi32>
        %parallel_loop3A_454 = arith.addi %broadcast_in_dim3A_78, %parallel_loop3A_453 : vector<16xi32>
        %parallel_loop3A_455 = arith.constant 0 : i32
        %parallel_loop3A_456 = arith.constant 0 : i32
        %parallel_loop3A_457 = tpu.memref_slice %arg6[%rem3A_339, %parallel_loop3A_455, %parallel_loop3A_456] : memref<4x128x64xf32, #tpu.memory_space<vmem>> -> memref<1x128x64xf32, #tpu.memory_space<vmem>>
        %parallel_loop3A_458 = tpu.memref_squeeze %parallel_loop3A_457 : memref<1x128x64xf32, #tpu.memory_space<vmem>> -> memref<128x64xf32, #tpu.memory_space<vmem>>
        %parallel_loop3A_459 = tpu.vector_load_idx %parallel_loop3A_458[%add3A_49, %parallel_loop3A_454] : memref<128x64xf32, #tpu.memory_space<vmem>>[vector<16xi32>, vector<16xi32>], vector<16xf32>,
        %parallel_loop3A_460 = arith.constant 8.000000e+00 : f32
        %parallel_loop3A_461 = vector.broadcast %parallel_loop3A_460 : f32 to vector<16xf32>
        %parallel_loop3A_462 = arith.mulf %parallel_loop3A_459, %parallel_loop3A_461 : vector<16xf32>
        %parallel_loop3A_463 = arith.index_cast %rem3A_339 : i32 to index
        %parallel_loop3A_464 = arith.index_cast %parallel_loop3A_450 : i32 to index
        %parallel_loop3A_465 = arith.index_cast %parallel_loop3A_452 : i32 to index
        %parallel_loop3A_466 = arith.constant 0 : index
        %parallel_loop3A_467 = tpu.vector_load %arg7[%parallel_loop3A_463, %parallel_loop3A_464, %parallel_loop3A_465, %parallel_loop3A_466] {strides = array<i32>} : memref<4x8x8x128xf32, #tpu.memory_space<vmem>>, vector<16xf32>,
        tpu.vector_store %arg7[%parallel_loop3A_463, %parallel_loop3A_464, %parallel_loop3A_465, %parallel_loop3A_466], %parallel_loop3A_462 {strides = array<i32>} : memref<4x8x8x128xf32, #tpu.memory_space<vmem>>, vector<16xf32>,
        %parallel_loop3A_468 = arith.constant 0 : i32
        %parallel_loop3A_469 = arith.constant 0 : i32
        %parallel_loop3A_470 = tpu.memref_slice %arg6[%rem3A_339, %parallel_loop3A_468, %parallel_loop3A_469] : memref<4x128x64xf32, #tpu.memory_space<vmem>> -> memref<1x128x64xf32, #tpu.memory_space<vmem>>
        %parallel_loop3A_471 = tpu.memref_squeeze %parallel_loop3A_470 : memref<1x128x64xf32, #tpu.memory_space<vmem>> -> memref<128x64xf32, #tpu.memory_space<vmem>>
        %parallel_loop3A_472 = tpu.vector_load_idx %parallel_loop3A_471[%add3A_53, %parallel_loop3A_454] : memref<128x64xf32, #tpu.memory_space<vmem>>[vector<16xi32>, vector<16xi32>], vector<16xf32>,
        %parallel_loop3A_473 = arith.constant 8.000000e+00 : f32
        %parallel_loop3A_474 = vector.broadcast %parallel_loop3A_473 : f32 to vector<16xf32>
        %parallel_loop3A_475 = arith.mulf %parallel_loop3A_472, %parallel_loop3A_474 : vector<16xf32>
        %parallel_loop3A_476 = arith.index_cast %rem3A_339 : i32 to index
        %parallel_loop3A_477 = arith.index_cast %parallel_loop3A_450 : i32 to index
        %parallel_loop3A_478 = arith.index_cast %parallel_loop3A_452 : i32 to index
        %parallel_loop3A_479 = arith.constant 16 : index
        %parallel_loop3A_480 = tpu.vector_load %arg7[%parallel_loop3A_476, %parallel_loop3A_477, %parallel_loop3A_478, %parallel_loop3A_479] {strides = array<i32>} : memref<4x8x8x128xf32, #tpu.memory_space<vmem>>, vector<16xf32>,
        tpu.vector_store %arg7[%parallel_loop3A_476, %parallel_loop3A_477, %parallel_loop3A_478, %parallel_loop3A_479], %parallel_loop3A_475 {strides = array<i32>} : memref<4x8x8x128xf32, #tpu.memory_space<vmem>>, vector<16xf32>,
        %parallel_loop3A_481 = arith.constant 0 : i32
        %parallel_loop3A_482 = arith.constant 0 : i32
        %parallel_loop3A_483 = tpu.memref_slice %arg6[%rem3A_339, %parallel_loop3A_481, %parallel_loop3A_482] : memref<4x128x64xf32, #tpu.memory_space<vmem>> -> memref<1x128x64xf32, #tpu.memory_space<vmem>>
        %parallel_loop3A_484 = tpu.memref_squeeze %parallel_loop3A_483 : memref<1x128x64xf32, #tpu.memory_space<vmem>> -> memref<128x64xf32, #tpu.memory_space<vmem>>
        %parallel_loop3A_485 = tpu.vector_load_idx %parallel_loop3A_484[%add3A_57, %parallel_loop3A_454] : memref<128x64xf32, #tpu.memory_space<vmem>>[vector<16xi32>, vector<16xi32>], vector<16xf32>,
        %parallel_loop3A_486 = arith.constant 8.000000e+00 : f32
        %parallel_loop3A_487 = vector.broadcast %parallel_loop3A_486 : f32 to vector<16xf32>
        %parallel_loop3A_488 = arith.mulf %parallel_loop3A_485, %parallel_loop3A_487 : vector<16xf32>
        %parallel_loop3A_489 = arith.index_cast %rem3A_339 : i32 to index
        %parallel_loop3A_490 = arith.index_cast %parallel_loop3A_450 : i32 to index
        %parallel_loop3A_491 = arith.index_cast %parallel_loop3A_452 : i32 to index
        %parallel_loop3A_492 = arith.constant 32 : index
        %parallel_loop3A_493 = tpu.vector_load %arg7[%parallel_loop3A_489, %parallel_loop3A_490, %parallel_loop3A_491, %parallel_loop3A_492] {strides = array<i32>} : memref<4x8x8x128xf32, #tpu.memory_space<vmem>>, vector<16xf32>,
        tpu.vector_store %arg7[%parallel_loop3A_489, %parallel_loop3A_490, %parallel_loop3A_491, %parallel_loop3A_492], %parallel_loop3A_488 {strides = array<i32>} : memref<4x8x8x128xf32, #tpu.memory_space<vmem>>, vector<16xf32>,
        %parallel_loop3A_494 = arith.constant 0 : i32
        %parallel_loop3A_495 = arith.constant 0 : i32
        %parallel_loop3A_496 = tpu.memref_slice %arg6[%rem3A_339, %parallel_loop3A_494, %parallel_loop3A_495] : memref<4x128x64xf32, #tpu.memory_space<vmem>> -> memref<1x128x64xf32, #tpu.memory_space<vmem>>
        %parallel_loop3A_497 = tpu.memref_squeeze %parallel_loop3A_496 : memref<1x128x64xf32, #tpu.memory_space<vmem>> -> memref<128x64xf32, #tpu.memory_space<vmem>>
        %parallel_loop3A_498 = tpu.vector_load_idx %parallel_loop3A_497[%add3A_61, %parallel_loop3A_454] : memref<128x64xf32, #tpu.memory_space<vmem>>[vector<16xi32>, vector<16xi32>], vector<16xf32>,
        %parallel_loop3A_499 = arith.constant 8.000000e+00 : f32
        %parallel_loop3A_500 = vector.broadcast %parallel_loop3A_499 : f32 to vector<16xf32>
        %parallel_loop3A_501 = arith.mulf %parallel_loop3A_498, %parallel_loop3A_500 : vector<16xf32>
        %parallel_loop3A_502 = arith.index_cast %rem3A_339 : i32 to index
        %parallel_loop3A_503 = arith.index_cast %parallel_loop3A_450 : i32 to index
        %parallel_loop3A_504 = arith.index_cast %parallel_loop3A_452 : i32 to index
        %parallel_loop3A_505 = arith.constant 48 : index
        %parallel_loop3A_506 = tpu.vector_load %arg7[%parallel_loop3A_502, %parallel_loop3A_503, %parallel_loop3A_504, %parallel_loop3A_505] {strides = array<i32>} : memref<4x8x8x128xf32, #tpu.memory_space<vmem>>, vector<16xf32>,
        tpu.vector_store %arg7[%parallel_loop3A_502, %parallel_loop3A_503, %parallel_loop3A_504, %parallel_loop3A_505], %parallel_loop3A_501 {strides = array<i32>} : memref<4x8x8x128xf32, #tpu.memory_space<vmem>>, vector<16xf32>,
        %parallel_loop3A_507 = arith.constant 0 : i32
        %parallel_loop3A_508 = arith.constant 0 : i32
        %parallel_loop3A_509 = tpu.memref_slice %arg6[%rem3A_339, %parallel_loop3A_507, %parallel_loop3A_508] : memref<4x128x64xf32, #tpu.memory_space<vmem>> -> memref<1x128x64xf32, #tpu.memory_space<vmem>>
        %parallel_loop3A_510 = tpu.memref_squeeze %parallel_loop3A_509 : memref<1x128x64xf32, #tpu.memory_space<vmem>> -> memref<128x64xf32, #tpu.memory_space<vmem>>
        %parallel_loop3A_511 = tpu.vector_load_idx %parallel_loop3A_510[%add3A_65, %parallel_loop3A_454] : memref<128x64xf32, #tpu.memory_space<vmem>>[vector<16xi32>, vector<16xi32>], vector<16xf32>,
        %parallel_loop3A_512 = arith.constant 8.000000e+00 : f32
        %parallel_loop3A_513 = vector.broadcast %parallel_loop3A_512 : f32 to vector<16xf32>
        %parallel_loop3A_514 = arith.mulf %parallel_loop3A_511, %parallel_loop3A_513 : vector<16xf32>
        %parallel_loop3A_515 = arith.index_cast %rem3A_339 : i32 to index
        %parallel_loop3A_516 = arith.index_cast %parallel_loop3A_450 : i32 to index
        %parallel_loop3A_517 = arith.index_cast %parallel_loop3A_452 : i32 to index
        %parallel_loop3A_518 = arith.constant 64 : index
        %parallel_loop3A_519 = tpu.vector_load %arg7[%parallel_loop3A_515, %parallel_loop3A_516, %parallel_loop3A_517, %parallel_loop3A_518] {strides = array<i32>} : memref<4x8x8x128xf32, #tpu.memory_space<vmem>>, vector<16xf32>,
        tpu.vector_store %arg7[%parallel_loop3A_515, %parallel_loop3A_516, %parallel_loop3A_517, %parallel_loop3A_518], %parallel_loop3A_514 {strides = array<i32>} : memref<4x8x8x128xf32, #tpu.memory_space<vmem>>, vector<16xf32>,
        %parallel_loop3A_520 = arith.constant 0 : i32
        %parallel_loop3A_521 = arith.constant 0 : i32
        %parallel_loop3A_522 = tpu.memref_slice %arg6[%rem3A_339, %parallel_loop3A_520, %parallel_loop3A_521] : memref<4x128x64xf32, #tpu.memory_space<vmem>> -> memref<1x128x64xf32, #tpu.memory_space<vmem>>
        %parallel_loop3A_523 = tpu.memref_squeeze %parallel_loop3A_522 : memref<1x128x64xf32, #tpu.memory_space<vmem>> -> memref<128x64xf32, #tpu.memory_space<vmem>>
        %parallel_loop3A_524 = tpu.vector_load_idx %parallel_loop3A_523[%add3A_69, %parallel_loop3A_454] : memref<128x64xf32, #tpu.memory_space<vmem>>[vector<16xi32>, vector<16xi32>], vector<16xf32>,
        %parallel_loop3A_525 = arith.constant 8.000000e+00 : f32
        %parallel_loop3A_526 = vector.broadcast %parallel_loop3A_525 : f32 to vector<16xf32>
        %parallel_loop3A_527 = arith.mulf %parallel_loop3A_524, %parallel_loop3A_526 : vector<16xf32>
        %parallel_loop3A_528 = arith.index_cast %rem3A_339 : i32 to index
        %parallel_loop3A_529 = arith.index_cast %parallel_loop3A_450 : i32 to index
        %parallel_loop3A_530 = arith.index_cast %parallel_loop3A_452 : i32 to index
        %parallel_loop3A_531 = arith.constant 80 : index
        %parallel_loop3A_532 = tpu.vector_load %arg7[%parallel_loop3A_528, %parallel_loop3A_529, %parallel_loop3A_530, %parallel_loop3A_531] {strides = array<i32>} : memref<4x8x8x128xf32, #tpu.memory_space<vmem>>, vector<16xf32>,
        tpu.vector_store %arg7[%parallel_loop3A_528, %parallel_loop3A_529, %parallel_loop3A_530, %parallel_loop3A_531], %parallel_loop3A_527 {strides = array<i32>} : memref<4x8x8x128xf32, #tpu.memory_space<vmem>>, vector<16xf32>,
        %parallel_loop3A_533 = arith.constant 0 : i32
        %parallel_loop3A_534 = arith.constant 0 : i32
        %parallel_loop3A_535 = tpu.memref_slice %arg6[%rem3A_339, %parallel_loop3A_533, %parallel_loop3A_534] : memref<4x128x64xf32, #tpu.memory_space<vmem>> -> memref<1x128x64xf32, #tpu.memory_space<vmem>>
        %parallel_loop3A_536 = tpu.memref_squeeze %parallel_loop3A_535 : memref<1x128x64xf32, #tpu.memory_space<vmem>> -> memref<128x64xf32, #tpu.memory_space<vmem>>
        %parallel_loop3A_537 = tpu.vector_load_idx %parallel_loop3A_536[%add3A_73, %parallel_loop3A_454] : memref<128x64xf32, #tpu.memory_space<vmem>>[vector<16xi32>, vector<16xi32>], vector<16xf32>,
        %parallel_loop3A_538 = arith.constant 8.000000e+00 : f32
        %parallel_loop3A_539 = vector.broadcast %parallel_loop3A_538 : f32 to vector<16xf32>
        %parallel_loop3A_540 = arith.mulf %parallel_loop3A_537, %parallel_loop3A_539 : vector<16xf32>
        %parallel_loop3A_541 = arith.index_cast %rem3A_339 : i32 to index
        %parallel_loop3A_542 = arith.index_cast %parallel_loop3A_450 : i32 to index
        %parallel_loop3A_543 = arith.index_cast %parallel_loop3A_452 : i32 to index
        %parallel_loop3A_544 = arith.constant 96 : index
        %parallel_loop3A_545 = tpu.vector_load %arg7[%parallel_loop3A_541, %parallel_loop3A_542, %parallel_loop3A_543, %parallel_loop3A_544] {strides = array<i32>} : memref<4x8x8x128xf32, #tpu.memory_space<vmem>>, vector<16xf32>,
        tpu.vector_store %arg7[%parallel_loop3A_541, %parallel_loop3A_542, %parallel_loop3A_543, %parallel_loop3A_544], %parallel_loop3A_540 {strides = array<i32>} : memref<4x8x8x128xf32, #tpu.memory_space<vmem>>, vector<16xf32>,
        %parallel_loop3A_546 = arith.constant 0 : i32
        %parallel_loop3A_547 = arith.constant 0 : i32
        %parallel_loop3A_548 = tpu.memref_slice %arg6[%rem3A_339, %parallel_loop3A_546, %parallel_loop3A_547] : memref<4x128x64xf32, #tpu.memory_space<vmem>> -> memref<1x128x64xf32, #tpu.memory_space<vmem>>
        %parallel_loop3A_549 = tpu.memref_squeeze %parallel_loop3A_548 : memref<1x128x64xf32, #tpu.memory_space<vmem>> -> memref<128x64xf32, #tpu.memory_space<vmem>>
        %parallel_loop3A_550 = tpu.vector_load_idx %parallel_loop3A_549[%add3A_77, %parallel_loop3A_454] : memref<128x64xf32, #tpu.memory_space<vmem>>[vector<16xi32>, vector<16xi32>], vector<16xf32>,
        %parallel_loop3A_551 = arith.constant 8.000000e+00 : f32
        %parallel_loop3A_552 = vector.broadcast %parallel_loop3A_551 : f32 to vector<16xf32>
        %parallel_loop3A_553 = arith.mulf %parallel_loop3A_550, %parallel_loop3A_552 : vector<16xf32>
        %parallel_loop3A_554 = arith.index_cast %rem3A_339 : i32 to index
        %parallel_loop3A_555 = arith.index_cast %parallel_loop3A_450 : i32 to index
        %parallel_loop3A_556 = arith.index_cast %parallel_loop3A_452 : i32 to index
        %parallel_loop3A_557 = arith.constant 112 : index
        %parallel_loop3A_558 = tpu.vector_load %arg7[%parallel_loop3A_554, %parallel_loop3A_555, %parallel_loop3A_556, %parallel_loop3A_557] {strides = array<i32>} : memref<4x8x8x128xf32, #tpu.memory_space<vmem>>, vector<16xf32>,
        tpu.vector_store %arg7[%parallel_loop3A_554, %parallel_loop3A_555, %parallel_loop3A_556, %parallel_loop3A_557], %parallel_loop3A_553 {strides = array<i32>} : memref<4x8x8x128xf32, #tpu.memory_space<vmem>>, vector<16xf32>,
      } {sc.loop_unroll_factor = 64 : i64, sc.parallel_access}
      %add3A_356 = arith.addi %mul3A_2, %scan3A_337 : i32
      %jit3A_357 = arith.constant 128 : i32
      %div3A_358 = arith.divsi %add3A_356, %jit3A_357 : i32
      %sign3A_359 = arith.constant 0 : i32
      %sign3A_360 = arith.cmpi sgt, %add3A_356, %sign3A_359 : i32
      %sign3A_361 = arith.extui %sign3A_360 : i1 to i32
      %sign3A_362 = arith.constant 0 : i32
      %sign3A_363 = arith.cmpi slt, %add3A_356, %sign3A_362 : i32
      %sign3A_364 = arith.extui %sign3A_363 : i1 to i32
      %sign3A_365 = arith.subi %sign3A_361, %sign3A_364 : i32
      %sign3A_366 = arith.constant 0 : i32
      %sign3A_367 = arith.cmpi sgt, %jit3A_357, %sign3A_366 : i32
      %sign3A_368 = arith.extui %sign3A_367 : i1 to i32
      %sign3A_369 = arith.constant 0 : i32
      %sign3A_370 = arith.cmpi slt, %jit3A_357, %sign3A_369 : i32
      %sign3A_371 = arith.extui %sign3A_370 : i1 to i32
      %sign3A_372 = arith.subi %sign3A_368, %sign3A_371 : i32
      %ne3A_373 = arith.cmpi ne, %sign3A_365, %sign3A_372 : i32
      %rem3A_374 = arith.remsi %add3A_356, %jit3A_357 : i32
      %ne3A_375 = arith.constant 0 : i32
      %ne3A_376 = arith.cmpi ne, %rem3A_374, %ne3A_375 : i32
      %and3A_377 = arith.andi %ne3A_373, %ne3A_376 : i1
      %sub3A_378 = arith.constant 1 : i32
      %sub3A_379 = arith.subi %div3A_358, %sub3A_378 : i32
      %select_n3A_380 = arith.select %and3A_377, %sub3A_379, %div3A_358 : i32
      %jit3A_381 = arith.constant 128 : i32
      %eq3A_382 = arith.constant 0 : i32
      %eq3A_383 = arith.cmpi eq, %jit3A_381, %eq3A_382 : i32
      %jit3A_384 = arith.constant 1 : i32
      %select_n3A_385 = arith.select %eq3A_383, %jit3A_384, %jit3A_381 : i32
      %rem3A_386 = arith.remsi %add3A_356, %select_n3A_385 : i32
      %ne3A_387 = arith.constant 0 : i32
      %ne3A_388 = arith.cmpi ne, %rem3A_386, %ne3A_387 : i32
      %lt3A_389 = arith.constant 0 : i32
      %lt3A_390 = arith.cmpi slt, %rem3A_386, %lt3A_389 : i32
      %lt3A_391 = arith.constant 0 : i32
      %lt3A_392 = arith.cmpi slt, %select_n3A_385, %lt3A_391 : i32
      %ne3A_393 = arith.xori %lt3A_390, %lt3A_392 : i1
      %and3A_394 = arith.andi %ne3A_393, %ne3A_388 : i1
      %add3A_395 = arith.addi %rem3A_386, %select_n3A_385 : i32
      %select_n3A_396 = arith.select %and3A_394, %add3A_395, %rem3A_386 : i32
      %dma_start3A_397 = arith.constant 0 : i32
      %dma_start3A_398 = arith.constant 0 : i32
      %dma_start3A_399 = arith.constant 0 : i32
      %dma_start3A_400 = tpu.memref_slice %arg7[%rem3A_339, %dma_start3A_397, %dma_start3A_398, %dma_start3A_399] : memref<4x8x8x128xf32, #tpu.memory_space<vmem>> -> memref<1x8x8x128xf32, #tpu.memory_space<vmem>>
      %dma_start3A_401 = tpu.memref_squeeze %dma_start3A_400 : memref<1x8x8x128xf32, #tpu.memory_space<vmem>> -> memref<8x8x128xf32, #tpu.memory_space<vmem>>
      %dma_start3A_402 = arith.constant 0 : i32
      %dma_start3A_403 = arith.constant 0 : i32
      %dma_start3A_404 = arith.constant 0 : i32
      %dma_start3A_405 = tpu.memref_slice %arg4[%select_n3A_380, %dma_start3A_402, %select_n3A_396, %dma_start3A_403, %dma_start3A_404] : memref<50x8x128x8x128xf32, #tpu.memory_space<hbm>> -> memref<1x8x1x8x128xf32, #tpu.memory_space<hbm>>
      %dma_start3A_406 = tpu.memref_squeeze %dma_start3A_405 : memref<1x8x1x8x128xf32, #tpu.memory_space<hbm>> -> memref<8x8x128xf32, #tpu.memory_space<hbm>>
      %dma_start3A_407 = tpu.memref_slice %arg9[%rem3A_339] : memref<4x!tpu.dma_semaphore, #tpu.memory_space<semaphore_mem>> -> memref<1x!tpu.dma_semaphore, #tpu.memory_space<semaphore_mem>>
      %dma_start3A_408 = tpu.memref_squeeze %dma_start3A_407 : memref<1x!tpu.dma_semaphore, #tpu.memory_space<semaphore_mem>> -> memref<!tpu.dma_semaphore, #tpu.memory_space<semaphore_mem>>
      %dma_start3A_409 = arith.constant 0 : i32
      %dma_start3A_410 = arith.constant 0 : i32
      %dma_start3A_411 = arith.constant 0 : i32
      %dma_start3A_412 = tpu.memref_slice %arg4[%select_n3A_380, %dma_start3A_409, %select_n3A_396, %dma_start3A_410, %dma_start3A_411] : memref<50x8x128x8x128xf32, #tpu.memory_space<hbm>> -> memref<1x8x1x8x128xf32, #tpu.memory_space<hbm>>
      %dma_start3A_413 = tpu.memref_squeeze %dma_start3A_412 : memref<1x8x1x8x128xf32, #tpu.memory_space<hbm>> -> memref<8x8x128xf32, #tpu.memory_space<hbm>>
      %dma_start3A_414 = arith.constant 0 : i32
      %dma_start3A_415 = arith.constant 0 : i32
      %dma_start3A_416 = arith.constant 0 : i32
      %dma_start3A_417 = tpu.memref_slice %arg7[%rem3A_339, %dma_start3A_414, %dma_start3A_415, %dma_start3A_416] : memref<4x8x8x128xf32, #tpu.memory_space<vmem>> -> memref<1x8x8x128xf32, #tpu.memory_space<vmem>>
      %dma_start3A_418 = tpu.memref_squeeze %dma_start3A_417 : memref<1x8x8x128xf32, #tpu.memory_space<vmem>> -> memref<8x8x128xf32, #tpu.memory_space<vmem>>
      tpu.enqueue_dma source(%dma_start3A_418 : memref<8x8x128xf32, #tpu.memory_space<vmem>>) target(%dma_start3A_413 : memref<8x8x128xf32, #tpu.memory_space<hbm>>) target_semaphore(%dma_start3A_408 : memref<!tpu.dma_semaphore, #tpu.memory_space<semaphore_mem>>)
      %add3A_419 = arith.constant 3 : i32
      %add3A_420 = arith.addi %scan3A_337, %add3A_419 : i32
      %lt3A_421 = arith.constant 200 : i32
      %lt3A_422 = arith.cmpi slt, %add3A_420, %lt3A_421 : i32
      %convert_element_type3A_423 = arith.extui %lt3A_422 : i1 to i32
      %cond3A_424 = arith.constant 0 : i32
      %cond3A_425 = arith.cmpi ne, %convert_element_type3A_423, %cond3A_424 : i32
      scf.if %cond3A_425 {
        %add3A_426 = arith.constant 3 : i32
        %add3A_427 = arith.addi %scan3A_337, %add3A_426 : i32
        %add3A_428 = arith.constant 3 : i32
        %add3A_429 = arith.addi %scan3A_337, %add3A_428 : i32
        %rem3A_430 = arith.constant 4 : i32
        %rem3A_431 = arith.remsi %add3A_429, %rem3A_430 : i32
        %dma_start3A_432 = arith.constant 0 : i32
        %dma_start3A_433 = arith.constant 0 : i32
        %dma_start3A_434 = tpu.memref_slice %arg6[%rem3A_431, %dma_start3A_432, %dma_start3A_433] : memref<4x128x64xf32, #tpu.memory_space<vmem>> -> memref<1x128x64xf32, #tpu.memory_space<vmem>>
        %dma_start3A_435 = tpu.memref_squeeze %dma_start3A_434 : memref<1x128x64xf32, #tpu.memory_space<vmem>> -> memref<128x64xf32, #tpu.memory_space<vmem>>
        %dma_start3A_436 = arith.constant 0 : i32
        %dma_start3A_437 = tpu.memref_slice %arg5[%add3A_427, %dma_start3A_436] : memref<200x128xi32, #tpu.memory_space<vmem>> -> memref<1x128xi32, #tpu.memory_space<vmem>>
        %dma_start3A_438 = tpu.memref_squeeze %dma_start3A_437 : memref<1x128xi32, #tpu.memory_space<vmem>> -> memref<128xi32, #tpu.memory_space<vmem>>
        %dma_start3A_439 = arith.constant 0 : i32
        %dma_start3A_440 = arith.constant 0 : i32
        %dma_start3A_441 = tpu.memref_slice %arg2[%dma_start3A_439, %dma_start3A_440] : memref<1000000x64xf32, #tpu.memory_space<hbm>> -> memref<1000000x64xf32, #tpu.memory_space<hbm>>
        %dma_start3A_442 = tpu.memref_slice %arg8[%rem3A_431] : memref<4x!tpu.dma_semaphore, #tpu.memory_space<semaphore_mem>> -> memref<1x!tpu.dma_semaphore, #tpu.memory_space<semaphore_mem>>
        %dma_start3A_443 = tpu.memref_squeeze %dma_start3A_442 : memref<1x!tpu.dma_semaphore, #tpu.memory_space<semaphore_mem>> -> memref<!tpu.dma_semaphore, #tpu.memory_space<semaphore_mem>>
        tpu.enqueue_indirect_dma source(%dma_start3A_441 : memref<1000000x64xf32, #tpu.memory_space<hbm>>) target(%dma_start3A_435 : memref<128x64xf32, #tpu.memory_space<vmem>>) offsets(%dma_start3A_438 : memref<128xi32, #tpu.memory_space<vmem>>) semaphore(%dma_start3A_443 : memref<!tpu.dma_semaphore, #tpu.memory_space<semaphore_mem>>)
      } else {
      }
    }
    %scan3A_83 = arith.constant 200 : i32
    %add3A_84 = arith.constant 0 : i32
    %add3A_85 = arith.addi %mul3A_2, %add3A_84 : i32
    %jit3A = arith.constant 128 : i32
    %div3A = arith.divsi %add3A_85, %jit3A : i32
    %sign3A = arith.constant 0 : i32
    %sign3A_86 = arith.cmpi sgt, %add3A_85, %sign3A : i32
    %sign3A_87 = arith.extui %sign3A_86 : i1 to i32
    %sign3A_88 = arith.constant 0 : i32
    %sign3A_89 = arith.cmpi slt, %add3A_85, %sign3A_88 : i32
    %sign3A_90 = arith.extui %sign3A_89 : i1 to i32
    %sign3A_91 = arith.subi %sign3A_87, %sign3A_90 : i32
    %sign3A_92 = arith.constant 0 : i32
    %sign3A_93 = arith.cmpi sgt, %jit3A, %sign3A_92 : i32
    %sign3A_94 = arith.extui %sign3A_93 : i1 to i32
    %sign3A_95 = arith.constant 0 : i32
    %sign3A_96 = arith.cmpi slt, %jit3A, %sign3A_95 : i32
    %sign3A_97 = arith.extui %sign3A_96 : i1 to i32
    %sign3A_98 = arith.subi %sign3A_94, %sign3A_97 : i32
    %ne3A = arith.cmpi ne, %sign3A_91, %sign3A_98 : i32
    %rem3A = arith.remsi %add3A_85, %jit3A : i32
    %ne3A_99 = arith.constant 0 : i32
    %ne3A_100 = arith.cmpi ne, %rem3A, %ne3A_99 : i32
    %and3A = arith.andi %ne3A, %ne3A_100 : i1
    %sub3A = arith.constant 1 : i32
    %sub3A_101 = arith.subi %div3A, %sub3A : i32
    %select_n3A = arith.select %and3A, %sub3A_101, %div3A : i32
    %jit3A_102 = arith.constant 128 : i32
    %eq3A = arith.constant 0 : i32
    %eq3A_103 = arith.cmpi eq, %jit3A_102, %eq3A : i32
    %jit3A_104 = arith.constant 1 : i32
    %select_n3A_105 = arith.select %eq3A_103, %jit3A_104, %jit3A_102 : i32
    %rem3A_106 = arith.remsi %add3A_85, %select_n3A_105 : i32
    %ne3A_107 = arith.constant 0 : i32
    %ne3A_108 = arith.cmpi ne, %rem3A_106, %ne3A_107 : i32
    %lt3A = arith.constant 0 : i32
    %lt3A_109 = arith.cmpi slt, %rem3A_106, %lt3A : i32
    %lt3A_110 = arith.constant 0 : i32
    %lt3A_111 = arith.cmpi slt, %select_n3A_105, %lt3A_110 : i32
    %ne3A_112 = arith.xori %lt3A_109, %lt3A_111 : i1
    %and3A_113 = arith.andi %ne3A_112, %ne3A_108 : i1
    %add3A_114 = arith.addi %rem3A_106, %select_n3A_105 : i32
    %select_n3A_115 = arith.select %and3A_113, %add3A_114, %rem3A_106 : i32
    %dma_wait3A = arith.constant 0 : i32
    %dma_wait3A_116 = arith.constant 0 : i32
    %dma_wait3A_117 = arith.constant 0 : i32
    %dma_wait3A_118 = arith.constant 0 : i32
    %dma_wait3A_119 = arith.constant 0 : i32
    %dma_wait3A_120 = tpu.memref_slice %arg7[%dma_wait3A, %dma_wait3A_117, %dma_wait3A_118, %dma_wait3A_119] : memref<4x8x8x128xf32, #tpu.memory_space<vmem>> -> memref<1x8x8x128xf32, #tpu.memory_space<vmem>>
    %dma_wait3A_121 = tpu.memref_squeeze %dma_wait3A_120 : memref<1x8x8x128xf32, #tpu.memory_space<vmem>> -> memref<8x8x128xf32, #tpu.memory_space<vmem>>
    %dma_wait3A_122 = arith.constant 0 : i32
    %dma_wait3A_123 = arith.constant 0 : i32
    %dma_wait3A_124 = arith.constant 0 : i32
    %dma_wait3A_125 = tpu.memref_slice %arg4[%select_n3A, %dma_wait3A_122, %select_n3A_115, %dma_wait3A_123, %dma_wait3A_124] : memref<50x8x128x8x128xf32, #tpu.memory_space<hbm>> -> memref<1x8x1x8x128xf32, #tpu.memory_space<hbm>>
    %dma_wait3A_126 = tpu.memref_squeeze %dma_wait3A_125 : memref<1x8x1x8x128xf32, #tpu.memory_space<hbm>> -> memref<8x8x128xf32, #tpu.memory_space<hbm>>
    %dma_wait3A_127 = tpu.memref_slice %arg9[%dma_wait3A_116] : memref<4x!tpu.dma_semaphore, #tpu.memory_space<semaphore_mem>> -> memref<1x!tpu.dma_semaphore, #tpu.memory_space<semaphore_mem>>
    %dma_wait3A_128 = tpu.memref_squeeze %dma_wait3A_127 : memref<1x!tpu.dma_semaphore, #tpu.memory_space<semaphore_mem>> -> memref<!tpu.dma_semaphore, #tpu.memory_space<semaphore_mem>>
    %dma_wait3A_129 = arith.constant 0 : i32
    %dma_wait3A_130 = arith.constant 0 : i32
    %dma_wait3A_131 = arith.constant 0 : i32
    %dma_wait3A_132 = tpu.memref_slice %arg4[%select_n3A, %dma_wait3A_129, %select_n3A_115, %dma_wait3A_130, %dma_wait3A_131] : memref<50x8x128x8x128xf32, #tpu.memory_space<hbm>> -> memref<1x8x1x8x128xf32, #tpu.memory_space<hbm>>
    %dma_wait3A_133 = tpu.memref_squeeze %dma_wait3A_132 : memref<1x8x1x8x128xf32, #tpu.memory_space<hbm>> -> memref<8x8x128xf32, #tpu.memory_space<hbm>>
    %dma_wait3A_134 = arith.constant 0 : i32
    %dma_wait3A_135 = arith.constant 0 : i32
    %dma_wait3A_136 = arith.constant 0 : i32
    %dma_wait3A_137 = tpu.memref_slice %arg7[%dma_wait3A, %dma_wait3A_134, %dma_wait3A_135, %dma_wait3A_136] : memref<4x8x8x128xf32, #tpu.memory_space<vmem>> -> memref<1x8x8x128xf32, #tpu.memory_space<vmem>>
    %dma_wait3A_138 = tpu.memref_squeeze %dma_wait3A_137 : memref<1x8x8x128xf32, #tpu.memory_space<vmem>> -> memref<8x8x128xf32, #tpu.memory_space<vmem>>
    tpu.wait_dma2 semaphore(%dma_wait3A_128 : memref<!tpu.dma_semaphore, #tpu.memory_space<semaphore_mem>>) src(%dma_wait3A_138 : memref<8x8x128xf32, #tpu.memory_space<vmem>>) dst(%dma_wait3A_133 : memref<8x8x128xf32, #tpu.memory_space<hbm>>)
    %add3A_139 = arith.constant 0 : i32
    %add3A_140 = arith.addi %mul3A_2, %add3A_139 : i32
    %jit3A_141 = arith.constant 128 : i32
    %div3A_142 = arith.divsi %add3A_140, %jit3A_141 : i32
    %sign3A_143 = arith.constant 0 : i32
    %sign3A_144 = arith.cmpi sgt, %add3A_140, %sign3A_143 : i32
    %sign3A_145 = arith.extui %sign3A_144 : i1 to i32
    %sign3A_146 = arith.constant 0 : i32
    %sign3A_147 = arith.cmpi slt, %add3A_140, %sign3A_146 : i32
    %sign3A_148 = arith.extui %sign3A_147 : i1 to i32
    %sign3A_149 = arith.subi %sign3A_145, %sign3A_148 : i32
    %sign3A_150 = arith.constant 0 : i32
    %sign3A_151 = arith.cmpi sgt, %jit3A_141, %sign3A_150 : i32
    %sign3A_152 = arith.extui %sign3A_151 : i1 to i32
    %sign3A_153 = arith.constant 0 : i32
    %sign3A_154 = arith.cmpi slt, %jit3A_141, %sign3A_153 : i32
    %sign3A_155 = arith.extui %sign3A_154 : i1 to i32
    %sign3A_156 = arith.subi %sign3A_152, %sign3A_155 : i32
    %ne3A_157 = arith.cmpi ne, %sign3A_149, %sign3A_156 : i32
    %rem3A_158 = arith.remsi %add3A_140, %jit3A_141 : i32
    %ne3A_159 = arith.constant 0 : i32
    %ne3A_160 = arith.cmpi ne, %rem3A_158, %ne3A_159 : i32
    %and3A_161 = arith.andi %ne3A_157, %ne3A_160 : i1
    %sub3A_162 = arith.constant 1 : i32
    %sub3A_163 = arith.subi %div3A_142, %sub3A_162 : i32
    %select_n3A_164 = arith.select %and3A_161, %sub3A_163, %div3A_142 : i32
    %jit3A_165 = arith.constant 128 : i32
    %eq3A_166 = arith.constant 0 : i32
    %eq3A_167 = arith.cmpi eq, %jit3A_165, %eq3A_166 : i32
    %jit3A_168 = arith.constant 1 : i32
    %select_n3A_169 = arith.select %eq3A_167, %jit3A_168, %jit3A_165 : i32
    %rem3A_170 = arith.remsi %add3A_140, %select_n3A_169 : i32
    %ne3A_171 = arith.constant 0 : i32
    %ne3A_172 = arith.cmpi ne, %rem3A_170, %ne3A_171 : i32
    %lt3A_173 = arith.constant 0 : i32
    %lt3A_174 = arith.cmpi slt, %rem3A_170, %lt3A_173 : i32
    %lt3A_175 = arith.constant 0 : i32
    %lt3A_176 = arith.cmpi slt, %select_n3A_169, %lt3A_175 : i32
    %ne3A_177 = arith.xori %lt3A_174, %lt3A_176 : i1
    %and3A_178 = arith.andi %ne3A_177, %ne3A_172 : i1
    %add3A_179 = arith.addi %rem3A_170, %select_n3A_169 : i32
    %select_n3A_180 = arith.select %and3A_178, %add3A_179, %rem3A_170 : i32
    %dma_wait3A_181 = arith.constant 1 : i32
    %dma_wait3A_182 = arith.constant 1 : i32
    %dma_wait3A_183 = arith.constant 0 : i32
    %dma_wait3A_184 = arith.constant 0 : i32
    %dma_wait3A_185 = arith.constant 0 : i32
    %dma_wait3A_186 = tpu.memref_slice %arg7[%dma_wait3A_181, %dma_wait3A_183, %dma_wait3A_184, %dma_wait3A_185] : memref<4x8x8x128xf32, #tpu.memory_space<vmem>> -> memref<1x8x8x128xf32, #tpu.memory_space<vmem>>
    %dma_wait3A_187 = tpu.memref_squeeze %dma_wait3A_186 : memref<1x8x8x128xf32, #tpu.memory_space<vmem>> -> memref<8x8x128xf32, #tpu.memory_space<vmem>>
    %dma_wait3A_188 = arith.constant 0 : i32
    %dma_wait3A_189 = arith.constant 0 : i32
    %dma_wait3A_190 = arith.constant 0 : i32
    %dma_wait3A_191 = tpu.memref_slice %arg4[%select_n3A_164, %dma_wait3A_188, %select_n3A_180, %dma_wait3A_189, %dma_wait3A_190] : memref<50x8x128x8x128xf32, #tpu.memory_space<hbm>> -> memref<1x8x1x8x128xf32, #tpu.memory_space<hbm>>
    %dma_wait3A_192 = tpu.memref_squeeze %dma_wait3A_191 : memref<1x8x1x8x128xf32, #tpu.memory_space<hbm>> -> memref<8x8x128xf32, #tpu.memory_space<hbm>>
    %dma_wait3A_193 = tpu.memref_slice %arg9[%dma_wait3A_182] : memref<4x!tpu.dma_semaphore, #tpu.memory_space<semaphore_mem>> -> memref<1x!tpu.dma_semaphore, #tpu.memory_space<semaphore_mem>>
    %dma_wait3A_194 = tpu.memref_squeeze %dma_wait3A_193 : memref<1x!tpu.dma_semaphore, #tpu.memory_space<semaphore_mem>> -> memref<!tpu.dma_semaphore, #tpu.memory_space<semaphore_mem>>
    %dma_wait3A_195 = arith.constant 0 : i32
    %dma_wait3A_196 = arith.constant 0 : i32
    %dma_wait3A_197 = arith.constant 0 : i32
    %dma_wait3A_198 = tpu.memref_slice %arg4[%select_n3A_164, %dma_wait3A_195, %select_n3A_180, %dma_wait3A_196, %dma_wait3A_197] : memref<50x8x128x8x128xf32, #tpu.memory_space<hbm>> -> memref<1x8x1x8x128xf32, #tpu.memory_space<hbm>>
    %dma_wait3A_199 = tpu.memref_squeeze %dma_wait3A_198 : memref<1x8x1x8x128xf32, #tpu.memory_space<hbm>> -> memref<8x8x128xf32, #tpu.memory_space<hbm>>
    %dma_wait3A_200 = arith.constant 0 : i32
    %dma_wait3A_201 = arith.constant 0 : i32
    %dma_wait3A_202 = arith.constant 0 : i32
    %dma_wait3A_203 = tpu.memref_slice %arg7[%dma_wait3A_181, %dma_wait3A_200, %dma_wait3A_201, %dma_wait3A_202] : memref<4x8x8x128xf32, #tpu.memory_space<vmem>> -> memref<1x8x8x128xf32, #tpu.memory_space<vmem>>
    %dma_wait3A_204 = tpu.memref_squeeze %dma_wait3A_203 : memref<1x8x8x128xf32, #tpu.memory_space<vmem>> -> memref<8x8x128xf32, #tpu.memory_space<vmem>>
    tpu.wait_dma2 semaphore(%dma_wait3A_194 : memref<!tpu.dma_semaphore, #tpu.memory_space<semaphore_mem>>) src(%dma_wait3A_204 : memref<8x8x128xf32, #tpu.memory_space<vmem>>) dst(%dma_wait3A_199 : memref<8x8x128xf32, #tpu.memory_space<hbm>>)
    %add3A_205 = arith.constant 0 : i32
    %add3A_206 = arith.addi %mul3A_2, %add3A_205 : i32
    %jit3A_207 = arith.constant 128 : i32
    %div3A_208 = arith.divsi %add3A_206, %jit3A_207 : i32
    %sign3A_209 = arith.constant 0 : i32
    %sign3A_210 = arith.cmpi sgt, %add3A_206, %sign3A_209 : i32
    %sign3A_211 = arith.extui %sign3A_210 : i1 to i32
    %sign3A_212 = arith.constant 0 : i32
    %sign3A_213 = arith.cmpi slt, %add3A_206, %sign3A_212 : i32
    %sign3A_214 = arith.extui %sign3A_213 : i1 to i32
    %sign3A_215 = arith.subi %sign3A_211, %sign3A_214 : i32
    %sign3A_216 = arith.constant 0 : i32
    %sign3A_217 = arith.cmpi sgt, %jit3A_207, %sign3A_216 : i32
    %sign3A_218 = arith.extui %sign3A_217 : i1 to i32
    %sign3A_219 = arith.constant 0 : i32
    %sign3A_220 = arith.cmpi slt, %jit3A_207, %sign3A_219 : i32
    %sign3A_221 = arith.extui %sign3A_220 : i1 to i32
    %sign3A_222 = arith.subi %sign3A_218, %sign3A_221 : i32
    %ne3A_223 = arith.cmpi ne, %sign3A_215, %sign3A_222 : i32
    %rem3A_224 = arith.remsi %add3A_206, %jit3A_207 : i32
    %ne3A_225 = arith.constant 0 : i32
    %ne3A_226 = arith.cmpi ne, %rem3A_224, %ne3A_225 : i32
    %and3A_227 = arith.andi %ne3A_223, %ne3A_226 : i1
    %sub3A_228 = arith.constant 1 : i32
    %sub3A_229 = arith.subi %div3A_208, %sub3A_228 : i32
    %select_n3A_230 = arith.select %and3A_227, %sub3A_229, %div3A_208 : i32
    %jit3A_231 = arith.constant 128 : i32
    %eq3A_232 = arith.constant 0 : i32
    %eq3A_233 = arith.cmpi eq, %jit3A_231, %eq3A_232 : i32
    %jit3A_234 = arith.constant 1 : i32
    %select_n3A_235 = arith.select %eq3A_233, %jit3A_234, %jit3A_231 : i32
    %rem3A_236 = arith.remsi %add3A_206, %select_n3A_235 : i32
    %ne3A_237 = arith.constant 0 : i32
    %ne3A_238 = arith.cmpi ne, %rem3A_236, %ne3A_237 : i32
    %lt3A_239 = arith.constant 0 : i32
    %lt3A_240 = arith.cmpi slt, %rem3A_236, %lt3A_239 : i32
    %lt3A_241 = arith.constant 0 : i32
    %lt3A_242 = arith.cmpi slt, %select_n3A_235, %lt3A_241 : i32
    %ne3A_243 = arith.xori %lt3A_240, %lt3A_242 : i1
    %and3A_244 = arith.andi %ne3A_243, %ne3A_238 : i1
    %add3A_245 = arith.addi %rem3A_236, %select_n3A_235 : i32
    %select_n3A_246 = arith.select %and3A_244, %add3A_245, %rem3A_236 : i32
    %dma_wait3A_247 = arith.constant 2 : i32
    %dma_wait3A_248 = arith.constant 2 : i32
    %dma_wait3A_249 = arith.constant 0 : i32
    %dma_wait3A_250 = arith.constant 0 : i32
    %dma_wait3A_251 = arith.constant 0 : i32
    %dma_wait3A_252 = tpu.memref_slice %arg7[%dma_wait3A_247, %dma_wait3A_249, %dma_wait3A_250, %dma_wait3A_251] : memref<4x8x8x128xf32, #tpu.memory_space<vmem>> -> memref<1x8x8x128xf32, #tpu.memory_space<vmem>>
    %dma_wait3A_253 = tpu.memref_squeeze %dma_wait3A_252 : memref<1x8x8x128xf32, #tpu.memory_space<vmem>> -> memref<8x8x128xf32, #tpu.memory_space<vmem>>
    %dma_wait3A_254 = arith.constant 0 : i32
    %dma_wait3A_255 = arith.constant 0 : i32
    %dma_wait3A_256 = arith.constant 0 : i32
    %dma_wait3A_257 = tpu.memref_slice %arg4[%select_n3A_230, %dma_wait3A_254, %select_n3A_246, %dma_wait3A_255, %dma_wait3A_256] : memref<50x8x128x8x128xf32, #tpu.memory_space<hbm>> -> memref<1x8x1x8x128xf32, #tpu.memory_space<hbm>>
    %dma_wait3A_258 = tpu.memref_squeeze %dma_wait3A_257 : memref<1x8x1x8x128xf32, #tpu.memory_space<hbm>> -> memref<8x8x128xf32, #tpu.memory_space<hbm>>
    %dma_wait3A_259 = tpu.memref_slice %arg9[%dma_wait3A_248] : memref<4x!tpu.dma_semaphore, #tpu.memory_space<semaphore_mem>> -> memref<1x!tpu.dma_semaphore, #tpu.memory_space<semaphore_mem>>
    %dma_wait3A_260 = tpu.memref_squeeze %dma_wait3A_259 : memref<1x!tpu.dma_semaphore, #tpu.memory_space<semaphore_mem>> -> memref<!tpu.dma_semaphore, #tpu.memory_space<semaphore_mem>>
    %dma_wait3A_261 = arith.constant 0 : i32
    %dma_wait3A_262 = arith.constant 0 : i32
    %dma_wait3A_263 = arith.constant 0 : i32
    %dma_wait3A_264 = tpu.memref_slice %arg4[%select_n3A_230, %dma_wait3A_261, %select_n3A_246, %dma_wait3A_262, %dma_wait3A_263] : memref<50x8x128x8x128xf32, #tpu.memory_space<hbm>> -> memref<1x8x1x8x128xf32, #tpu.memory_space<hbm>>
    %dma_wait3A_265 = tpu.memref_squeeze %dma_wait3A_264 : memref<1x8x1x8x128xf32, #tpu.memory_space<hbm>> -> memref<8x8x128xf32, #tpu.memory_space<hbm>>
    %dma_wait3A_266 = arith.constant 0 : i32
    %dma_wait3A_267 = arith.constant 0 : i32
    %dma_wait3A_268 = arith.constant 0 : i32
    %dma_wait3A_269 = tpu.memref_slice %arg7[%dma_wait3A_247, %dma_wait3A_266, %dma_wait3A_267, %dma_wait3A_268] : memref<4x8x8x128xf32, #tpu.memory_space<vmem>> -> memref<1x8x8x128xf32, #tpu.memory_space<vmem>>
    %dma_wait3A_270 = tpu.memref_squeeze %dma_wait3A_269 : memref<1x8x8x128xf32, #tpu.memory_space<vmem>> -> memref<8x8x128xf32, #tpu.memory_space<vmem>>
    tpu.wait_dma2 semaphore(%dma_wait3A_260 : memref<!tpu.dma_semaphore, #tpu.memory_space<semaphore_mem>>) src(%dma_wait3A_270 : memref<8x8x128xf32, #tpu.memory_space<vmem>>) dst(%dma_wait3A_265 : memref<8x8x128xf32, #tpu.memory_space<hbm>>)
    %add3A_271 = arith.constant 0 : i32
    %add3A_272 = arith.addi %mul3A_2, %add3A_271 : i32
    %jit3A_273 = arith.constant 128 : i32
    %div3A_274 = arith.divsi %add3A_272, %jit3A_273 : i32
    %sign3A_275 = arith.constant 0 : i32
    %sign3A_276 = arith.cmpi sgt, %add3A_272, %sign3A_275 : i32
    %sign3A_277 = arith.extui %sign3A_276 : i1 to i32
    %sign3A_278 = arith.constant 0 : i32
    %sign3A_279 = arith.cmpi slt, %add3A_272, %sign3A_278 : i32
    %sign3A_280 = arith.extui %sign3A_279 : i1 to i32
    %sign3A_281 = arith.subi %sign3A_277, %sign3A_280 : i32
    %sign3A_282 = arith.constant 0 : i32
    %sign3A_283 = arith.cmpi sgt, %jit3A_273, %sign3A_282 : i32
    %sign3A_284 = arith.extui %sign3A_283 : i1 to i32
    %sign3A_285 = arith.constant 0 : i32
    %sign3A_286 = arith.cmpi slt, %jit3A_273, %sign3A_285 : i32
    %sign3A_287 = arith.extui %sign3A_286 : i1 to i32
    %sign3A_288 = arith.subi %sign3A_284, %sign3A_287 : i32
    %ne3A_289 = arith.cmpi ne, %sign3A_281, %sign3A_288 : i32
    %rem3A_290 = arith.remsi %add3A_272, %jit3A_273 : i32
    %ne3A_291 = arith.constant 0 : i32
    %ne3A_292 = arith.cmpi ne, %rem3A_290, %ne3A_291 : i32
    %and3A_293 = arith.andi %ne3A_289, %ne3A_292 : i1
    %sub3A_294 = arith.constant 1 : i32
    %sub3A_295 = arith.subi %div3A_274, %sub3A_294 : i32
    %select_n3A_296 = arith.select %and3A_293, %sub3A_295, %div3A_274 : i32
    %jit3A_297 = arith.constant 128 : i32
    %eq3A_298 = arith.constant 0 : i32
    %eq3A_299 = arith.cmpi eq, %jit3A_297, %eq3A_298 : i32
    %jit3A_300 = arith.constant 1 : i32
    %select_n3A_301 = arith.select %eq3A_299, %jit3A_300, %jit3A_297 : i32
    %rem3A_302 = arith.remsi %add3A_272, %select_n3A_301 : i32
    %ne3A_303 = arith.constant 0 : i32
    %ne3A_304 = arith.cmpi ne, %rem3A_302, %ne3A_303 : i32
    %lt3A_305 = arith.constant 0 : i32
    %lt3A_306 = arith.cmpi slt, %rem3A_302, %lt3A_305 : i32
    %lt3A_307 = arith.constant 0 : i32
    %lt3A_308 = arith.cmpi slt, %select_n3A_301, %lt3A_307 : i32
    %ne3A_309 = arith.xori %lt3A_306, %lt3A_308 : i1
    %and3A_310 = arith.andi %ne3A_309, %ne3A_304 : i1
    %add3A_311 = arith.addi %rem3A_302, %select_n3A_301 : i32
    %select_n3A_312 = arith.select %and3A_310, %add3A_311, %rem3A_302 : i32
    %dma_wait3A_313 = arith.constant 3 : i32
    %dma_wait3A_314 = arith.constant 3 : i32
    %dma_wait3A_315 = arith.constant 0 : i32
    %dma_wait3A_316 = arith.constant 0 : i32
    %dma_wait3A_317 = arith.constant 0 : i32
    %dma_wait3A_318 = tpu.memref_slice %arg7[%dma_wait3A_313, %dma_wait3A_315, %dma_wait3A_316, %dma_wait3A_317] : memref<4x8x8x128xf32, #tpu.memory_space<vmem>> -> memref<1x8x8x128xf32, #tpu.memory_space<vmem>>
    %dma_wait3A_319 = tpu.memref_squeeze %dma_wait3A_318 : memref<1x8x8x128xf32, #tpu.memory_space<vmem>> -> memref<8x8x128xf32, #tpu.memory_space<vmem>>
    %dma_wait3A_320 = arith.constant 0 : i32
    %dma_wait3A_321 = arith.constant 0 : i32
    %dma_wait3A_322 = arith.constant 0 : i32
    %dma_wait3A_323 = tpu.memref_slice %arg4[%select_n3A_296, %dma_wait3A_320, %select_n3A_312, %dma_wait3A_321, %dma_wait3A_322] : memref<50x8x128x8x128xf32, #tpu.memory_space<hbm>> -> memref<1x8x1x8x128xf32, #tpu.memory_space<hbm>>
    %dma_wait3A_324 = tpu.memref_squeeze %dma_wait3A_323 : memref<1x8x1x8x128xf32, #tpu.memory_space<hbm>> -> memref<8x8x128xf32, #tpu.memory_space<hbm>>
    %dma_wait3A_325 = tpu.memref_slice %arg9[%dma_wait3A_314] : memref<4x!tpu.dma_semaphore, #tpu.memory_space<semaphore_mem>> -> memref<1x!tpu.dma_semaphore, #tpu.memory_space<semaphore_mem>>
    %dma_wait3A_326 = tpu.memref_squeeze %dma_wait3A_325 : memref<1x!tpu.dma_semaphore, #tpu.memory_space<semaphore_mem>> -> memref<!tpu.dma_semaphore, #tpu.memory_space<semaphore_mem>>
    %dma_wait3A_327 = arith.constant 0 : i32
    %dma_wait3A_328 = arith.constant 0 : i32
    %dma_wait3A_329 = arith.constant 0 : i32
    %dma_wait3A_330 = tpu.memref_slice %arg4[%select_n3A_296, %dma_wait3A_327, %select_n3A_312, %dma_wait3A_328, %dma_wait3A_329] : memref<50x8x128x8x128xf32, #tpu.memory_space<hbm>> -> memref<1x8x1x8x128xf32, #tpu.memory_space<hbm>>
    %dma_wait3A_331 = tpu.memref_squeeze %dma_wait3A_330 : memref<1x8x1x8x128xf32, #tpu.memory_space<hbm>> -> memref<8x8x128xf32, #tpu.memory_space<hbm>>
    %dma_wait3A_332 = arith.constant 0 : i32
    %dma_wait3A_333 = arith.constant 0 : i32
    %dma_wait3A_334 = arith.constant 0 : i32
    %dma_wait3A_335 = tpu.memref_slice %arg7[%dma_wait3A_313, %dma_wait3A_332, %dma_wait3A_333, %dma_wait3A_334] : memref<4x8x8x128xf32, #tpu.memory_space<vmem>> -> memref<1x8x8x128xf32, #tpu.memory_space<vmem>>
    %dma_wait3A_336 = tpu.memref_squeeze %dma_wait3A_335 : memref<1x8x8x128xf32, #tpu.memory_space<vmem>> -> memref<8x8x128xf32, #tpu.memory_space<vmem>>
    tpu.wait_dma2 semaphore(%dma_wait3A_326 : memref<!tpu.dma_semaphore, #tpu.memory_space<semaphore_mem>>) src(%dma_wait3A_336 : memref<8x8x128xf32, #tpu.memory_space<vmem>>) dst(%dma_wait3A_331 : memref<8x8x128xf32, #tpu.memory_space<hbm>>)
    return
  }
}

</mosaic_0001>

<sc_bundles>
// kernel: kernel.3.cloned.1.call-start
scs
__scs_entry_jumppad:
0x0: {  	(pc) =	sbr.rel $0x88, $3  }
0x1: {  	(tag) =	ssettag $0x0;
	lr =	simm.s32 $0x1  }
0x2: {  	[smem:$0x3F9F] =	sst lr;
	_ =	strace $0xD0000000  }
0x3: {  	_ = 	snop  }
0x4: {  	_ = 	snop  }
0x5: {  	_ = 	snop  }
0x6: {  	_ = 	snop  }
0x7: {  	_ = 	snop  }
__scs_overlays_trampoline_lowered:
0x8: {  	[smem:$0x3FAE] =	sst s0  }
0x9: {  	[smem:$0x3FAF] =	sst s1  }
0xa: {  	[smem:$0x3FB0] =	sst s2  }
0xb: {  	[smem:$0x3FB1] =	sst s3  }
0xc: {  	[smem:$0x3FB2] =	sst s4  }
0xd: {  	[smem:$0x3FB3] =	sst s5  }
0xe: {  	[smem:$0x3FB4] =	sst s6  }
0xf: {  	[smem:$0x3FB5] =	sst s7  }
0x10: {  	[smem:$0x3FB6] =	sst s8  }
0x11: {  	[smem:$0x3FB7] =	sst s9;
	s0 =	simm.s32 @!p0 $0x0  }
0x12: {  	s1 =	sld [smem:$0x3F9D];
	s0 =	simm.s32 @p0 $0x1  }
0x13: {  	[smem:$0x3FB8] =	sst s0;
	s0 =	simm.s32 @!p1 $0x0  }
0x14: {  	s2 =	sld [smem:$0x3F9C];
	s0 =	simm.s32 @p1 $0x1  }
0x15: {  	[smem:$0x3FB9] =	sst s0;
	s0 =	simm.s32 @!p2 $0x0  }
0x16: {  	s3 =	sld [smem:$0x3FDB];
	s0 =	simm.s32 @p2 $0x1  }
0x17: {  	s4 =	simm.s32 $0x1BF5;
	[smem:$0x3FBB] =	sst s0  }
0x18: {  	s0 =	sld [smem:$0x3F9E];
	_ =	swait.ge [sflag:s4], $0x0  }
0x19: {  	s7 =	sld [smem:$0x3F9F]  }
0x1a: {  	s8 =	sadd.s32 $0xFFFFE003, lr  }
0x1b: {  	s9 =	sadd.s32 $0xFFFFFEF7, lr;
	s5 =	simm.s32 $0xFFFFFFFF;
	p2 =	slt.u32 s8, $0xFFFFF086  }
0x1c: {  	p1 =	slt.u32 s9, $0xF7A;
	s5 =	simm.s32 @!p2 $0x0  }
0x1d: {  	s5 =	simm.s32 @p1 $0x1;
	p0 =	seq.s32 s7, s2  }
0x1e: {  	s7 =	smul.u32 @!p0 $0xF7A, s2;
	p2 =	seq.s32 @!p0 s5, $0x0  }
0x1f: {  	s9 =	smul.u32 $0xF7A, s1;
	s8 =	simm.s32 @!p0 $0x1BF5;
	p2 =	por !p2, p0  }
0x20: {  	[sflag:s8] =	ssyncset.s32 @!p0 $0xFFFFF086;
	s6 =	sadd.s32 @!p0 s3, s7;
	s7 =	simm.s32 @!p0 $0x108  }
0x21: {  	s3 =	sadd.s32 s3, s9;
	s6 =	sadd.s32 @!p0 $0x88, s6;
	s7 =	simm.s32 @p2 $0x1082  }
0x22: {  	[simem:s7], [sflag:s8] =	dma.local @!p0 [hbm:s6], $0xF7A  }
0x23: {  	s9 =	sor.u32 $0xD0000000, s2;
	s6 =	simm.s32 $0x108;
	_ =	swait.ge @!p0 [sflag:s8], $0x0  }
0x24: {  	s3 =	sadd.s32 $0x88, s3;
	s6 =	simm.s32 @!p1 $0x1082;
	[sflag:s4] =	ssyncset.s32 $0xFFFFF086  }
0x25: {  	[simem:s6], [sflag:s4] =	dma.local [hbm:s3], $0xF7A  }
0x26: {  	[smem:$0x3F9F] =	sst s1;
	(tag) =	ssettag s2;
	_ =	strace s9  }
0x27: {  	s1 =	sld [smem:$0x3FAF]  }
0x28: {  	s2 =	sld [smem:$0x3FB0]  }
0x29: {  	s4 =	sld [smem:$0x3FB2]  }
0x2a: {  	p0 =	seq.s32 s5, $0x0;
	s5 =	sld [smem:$0x3FB3]  }
0x2b: {  	s6 =	sld [smem:$0x3FB4]  }
0x2c: {  	s7 =	sld [smem:$0x3FB5]  }
0x2d: {  	s3 =	simm.s32 $0x108;
	s8 =	sld [smem:$0x3FB6]  }
0x2e: {  	s3 =	simm.s32 @!p0 $0x1082;
	s9 =	sld [smem:$0x3FB7]  }
0x2f: {  	lr =	sadd.s32 s0, s3;
	s0 =	sld [smem:$0x3FAE]  }
0x30: {  	s3 =	sld [smem:$0x3FB1]  }
0x31: {  	[smem:$0x3FBA] =	sst s10  }
0x32: {  	s10 =	sld [smem:$0x3FB8];
	_ =	sdelay $0x3  }
0x33: {  	p0 =	seq.s32 s10, $0x1;
	s10 =	sld [smem:$0x3FBA];
	_ =	sdelay $0x3  }
0x34: {  	[smem:$0x3FBA] =	sst s10  }
0x35: {  	s10 =	sld [smem:$0x3FB9];
	_ =	sdelay $0x3  }
0x36: {  	p1 =	seq.s32 s10, $0x1;
	s10 =	sld [smem:$0x3FBA];
	_ =	sdelay $0x3  }
0x37: {  	[smem:$0x3FBA] =	sst s10  }
0x38: {  	s10 =	sld [smem:$0x3FBB]  }
0x39: {  	_ = 	snop;
	(pc) =	sbr.ind lr, $3  }
0x3a: {  	_ = 	snop  }
0x3b: {  	_ = 	snop  }
0x3c: {  	p2 =	seq.s32 s10, $0x1;
	s10 =	sld [smem:$0x3FBA]  }
0x3d: {  	_ =	shalt  }
0x3e: {  	_ =	shalt  }
0x3f: {  	_ =	shalt  }
0x40: {  	_ =	shalt  }
0x41: {  	_ =	shalt  }
0x42: {  	_ =	shalt  }
0x43: {  	_ =	shalt  }
0x44: {  	_ =	shalt  }
0x45: {  	_ =	shalt  }
0x46: {  	_ =	shalt  }
0x47: {  	_ =	shalt  }
0x48: {  	_ =	shalt  }
0x49: {  	_ =	shalt  }
0x4a: {  	_ =	shalt  }
0x4b: {  	_ =	shalt  }
0x4c: {  	_ =	shalt  }
0x4d: {  	_ =	shalt  }
0x4e: {  	_ =	shalt  }
0x4f: {  	_ =	shalt  }
0x50: {  	_ =	shalt  }
0x51: {  	_ =	shalt  }
0x52: {  	_ =	shalt  }
0x53: {  	_ =	shalt  }
0x54: {  	_ =	shalt  }
0x55: {  	_ =	shalt  }
0x56: {  	_ =	shalt  }
0x57: {  	_ =	shalt  }
0x58: {  	_ =	shalt  }
0x59: {  	_ =	shalt  }
0x5a: {  	_ =	shalt  }
0x5b: {  	_ =	shalt  }
0x5c: {  	_ =	shalt  }
0x5d: {  	_ =	shalt  }
0x5e: {  	_ =	shalt  }
0x5f: {  	_ =	shalt  }
0x60: {  	_ =	shalt  }
0x61: {  	_ =	shalt  }
0x62: {  	_ =	shalt  }
0x63: {  	_ =	shalt  }
0x64: {  	_ =	shalt  }
0x65: {  	_ =	shalt  }
0x66: {  	_ =	shalt  }
0x67: {  	_ =	shalt  }
0x68: {  	_ =	shalt  }
0x69: {  	_ =	shalt  }
0x6a: {  	_ =	shalt  }
0x6b: {  	_ =	shalt  }
0x6c: {  	_ =	shalt  }
0x6d: {  	_ =	shalt  }
0x6e: {  	_ =	shalt  }
0x6f: {  	_ =	shalt  }
0x70: {  	_ =	shalt  }
0x71: {  	_ =	shalt  }
0x72: {  	_ =	shalt  }
0x73: {  	_ =	shalt  }
0x74: {  	_ =	shalt  }
0x75: {  	_ =	shalt  }
0x76: {  	_ =	shalt  }
0x77: {  	_ =	shalt  }
0x78: {  	_ =	shalt  }
0x79: {  	_ =	shalt  }
0x7a: {  	_ =	shalt  }
0x7b: {  	_ =	shalt  }
0x7c: {  	_ =	shalt  }
0x7d: {  	_ =	shalt  }
0x7e: {  	_ =	shalt  }
0x7f: {  	_ =	shalt  }
0x80: {  	_ =	shalt  }
0x81: {  	_ =	shalt  }
0x82: {  	_ =	shalt  }
0x83: {  	_ =	shalt  }
0x84: {  	_ =	shalt  }
0x85: {  	_ =	shalt  }
0x86: {  	_ =	shalt  }
0x87: {  	_ =	shalt  }
.Lfunc_end0:
.L_simem_size_0:
called_computation_lowered:
.L_overlay_start_0:
0x88: {  	s2 =	sld [smem:$0x3FD9]  }
0x89: {  	s3 =	sld [smem:$0x3FFE];
	_ =	sdelay $0x1  }
0x8a: {  	s1 =	srdreg.scid  }
0x8b: {  	s0 =	sand.u32 $0x1, s1  }
0x8c: {  	s17 =	sshll.u32 s0, $0xA;
	s2 =	sadd.s32 s3, s2  }
0x8d: {  	s2 =	sadd.s32 s2, s17  }
0x8e: {  	[smem:$0x3FC6] =	sst s2  }
0x8f: {  	_ = 	snop  }
0x90: {  	s2 =	sld [smem:$0x3FD0];
	(tm) =	ssettm $0x1  }
0x91: {  	s18 =	sld [smem:$0x3FFB];
	_ =	sdelay $0x3  }
0x92: {  	_ =	strace s18  }
0x93: {  	s3 =	sld [smem:$0x3FFC];
	_ =	sdelay $0x3  }
0x94: {  	_ =	strace s3  }
0x95: {  	s3 =	sld [smem:$0x3FFD];
	_ =	sdelay $0x3  }
0x96: {  	_ =	strace s3  }
0x97: {  	_ =	strace $0x8FFFFFFF  }
0x98: {  	s19 =	sld [smem:$0x3FDB];
	_ =	sdelay $0x1  }
0x99: {  	s4 =	simm.s32 $_scs_section_size  }
0x9a: {  	s5 =	simm.s32 $_size__tile_overlayer_lowered;
	s6 =	simm.s32 $_tile_overlayer_lowered  }
0x9b: {  	s22 =	simm.s32 $0x1BFF;
	s21 =	sshll.u32 s6, $0x1;
	s3 =	sadd.s32 s4, s19  }
0x9c: {  	s7 =	simm.s32 $0x0;
	s20 =	sshll.u32 s5, $0x1;
	s5 =	sadd.s32 s21, s3  }
0x9d: {  	[timem:s7], [sflag:s22] =	dma.local [hbm:s5], s20  }
0x9e: {  	_ =	swait.ge [sflag:s22], s20  }
0x9f: {  	s4 =	ssub.s32 $0x0, s20;
	[sflag:s22] =	ssyncset.done $0x0  }
0xa0: {  	[sflag:s22] =	ssyncadd.s32 s4;
	_ =	sdelay $0x1  }
0xa1: {  	s23 =	simm.s32 $0x1B8B  }
0xa2: {  	_ =	swait.ge [sflag:s23], $0x1  }
0xa3: {  	[sflag:s23] =	ssyncset.done $0x0  }
0xa4: {  	s25 =	simm.s32 $0x1B8E;
	s24 =	sld [smem:$0x3FFE];
	[sflag:s23] =	ssyncadd.s32 $0xFFFFFFFF  }
0xa5: {  	s26 =	simm.s32 $execute0_lowered;
	[smem:$0x3FD2] =	sst s25  }
0xa6: {  	s5 =	sshll.u32 s26, $0x1;
	_ =	strace $0x80000046;
	[dreg:$0x1] =	wrdreg $0xFFFFFFFF  }
0xa7: {  	s28 =	simm.s32 $_size_execute0_lowered;
	s3 =	sadd.s32 s3, s5;
	[dreg:$0x0] =	wrdreg $0x0  }
0xa8: {  	s5 =	sshll.u32 s28, $0x1;
	[dreg:$0x2] =	wrdreg s3  }
0xa9: {  	[dreg:$0x3] =	wrdreg s5  }
0xaa: {  	[dreg:$0x4] =	wrdreg $0xC0  }
0xab: {  	_ =	task [dreg:s7], $0x5FFFF  }
0xac: {  	[dreg:$0x1] =	wrdreg $0xFFFFFFFF  }
0xad: {  	[dreg:$0x0] =	wrdreg $0x60  }
0xae: {  	[dreg:$0x2] =	wrdreg s24  }
0xaf: {  	[dreg:$0x3] =	wrdreg s2  }
0xb0: {  	[dreg:$0x4] =	wrdreg $0x9  }
0xb1: {  	_ =	task.clear_ibuf [dreg:s7], $0x5FFFF;
	_ =	strace $0x90000046  }
0xb2: {  	s29 =	simm.s32 $0x9;
	_ =	strace $0x80000048  }
0xb3: {  	_ =	swait.ge [sflag:s29], $0x1  }
0xb4: {  	[sflag:s29] =	ssyncadd.s32 $0xFFFFFFFF  }
0xb5: {  	_ =	strace $0x90000048  }
0xb6: {  	_ =	sfence  }
0xb7: {  	s30 =	sld [smem:$0x0];
	_ =	sdelay $0x2  }
0xb8: {  	s31 =	sshll.u32 s1, $0xD;
	s1 =	sshrl.u32 s1, $0x2  }
0xb9: {  	s3 =	sand.u32 $0x4000, s31;
	s1 =	sadd.s32 s1, s30  }
0xba: {  	s0 =	sor.u32 s3, s0;
	s1 =	sshll.u32 s1, $0x11  }
0xbb: {  	s0 =	sor.u32 s1, s0  }
0xbc: {  	s0 =	sadd.s32 $0x8F2B, s0  }
0xbd: {  	[sflag:s0] =	ssyncadd.remote.s32 $0x1  }
0xbe: {  	_ =	sfence.sel $0xFFFF  }
0xbf: {  	[dreg:$0x0] =	wrdreg $0xFFFFFFFF;
	(pc) =	sbr.abs _section_cstart, $3  }
0xc0: {  	[dreg:$0x1] =	wrdreg $0xFFFFFFFF  }
0xc1: {  	_ =	task.clear_ibuf [dreg:s7], $0x2FFFF;
	_ =	strace $0x9FFFFFFF  }
0xc2: {  	(tm) =	ssettm $0x7FFFFFFF  }
0xc3: {  	_ =	shalt  }
tec
execute0_lowered:
.L_overlay_start_1:
0x0: {  	(tag) =	ssettag $0x1  }
0x1: {  	v0 =	vlaneseq.u32  }
0x2: {  	v0 =	vmul.u32 $0x40, v0;
	_ =	sdelay $0x1  }
0x3: {  	v2 =	vor.u32 $0x400, v0;
	v3 =	vor.u32 $0x800, v0;
	v4 =	vor.u32 $0xC00, v0  }
0x4: {  	v8 =	vor.u32 $0x1000, v0;
	v9 =	vor.u32 $0x1400, v0;
	v12 =	vor.u32 $0x1800, v0  }
0x5: {  	v17 =	vor.u32 $0x1C00, v0;
	v20 =	vor.u32 $0x1, v0;
	v19 =	vor.u32 $0x401, v0  }
0x6: {  	v22 =	vor.u32 $0x801, v0;
	v23 =	vor.u32 $0xC01, v0;
	v24 =	vor.u32 $0x1001, v0  }
0x7: {  	v25 =	vor.u32 $0x1401, v0;
	v26 =	vor.u32 $0x1801, v0;
	v27 =	vor.u32 $0x1C01, v0  }
0x8: {  	s1 =	srdreg.scid;
	s5 =	rddreg [dreg:$0x0];
	v28 =	vor.u32 $0x2, v0;
	v29 =	vor.u32 $0x402, v0;
	v30 =	vor.u32 $0x802, v0  }
0x9: {  	s0 =	stileid.u32;
	s2 =	rddreg [dreg:$0x1];
	v31 =	vor.u32 $0xC02, v0;
	v32 =	vor.u32 $0x1002, v0;
	v33 =	vor.u32 $0x1402, v0  }
0xa: {  	s3 =	simm.s32 $0x0;
	s4 =	sand.u32 $0x1, s1;
	s30 =	sshll.u32 s0, $0x1;
	v34 =	vor.u32 $0x1802, v0;
	v35 =	vor.u32 $0x1C02, v0;
	v37 =	vor.u32 $0x403, v0  }
0xb: {  	[smem:$0x7FF] =	sst s3;
	s1 =	sor.u32 s4, s30;
	v38 =	vor.u32 $0x803, v0;
	v39 =	vor.u32 $0xC03, v0;
	v1 =	vor.u32 $0x1007, v0  }
0xc: {  	v36 =	vor.u32 $0x3, v0;
	v40 =	vor.u32 $0x1003, v0;
	v41 =	vor.u32 $0x1403, v0;
	s6 =	smul.u32 $0xC80, s1;
	s1 =	rddreg [dreg:$0x2];
	_ =	strace $0x80000047;
	[tilespmem:$0x1FF40] =	vst v1  }
0xd: {  	v42 =	vor.u32 $0x1803, v0;
	v43 =	vor.u32 $0x1C03, v0;
	v44 =	vor.u32 $0x4, v0;
	[tilespmem:$0x1FF80] =	vst v2  }
0xe: {  	v45 =	vor.u32 $0x404, v0;
	v46 =	vor.u32 $0x804, v0;
	v47 =	vor.u32 $0xC04, v0;
	[tilespmem:$0x1FF90] =	vst v3  }
0xf: {  	s12 =	simm.s32 $0x8400;
	s13 =	simm.s32 $0x100;
	v48 =	vor.u32 $0x1004, v0;
	v49 =	vor.u32 $0x1404, v0;
	v50 =	vor.u32 $0x1804, v0;
	[tilespmem:$0x1FFA0] =	vst v4  }
0x10: {  	s14 =	simm.s32 $0xA400;
	s15 =	simm.s32 $0x400;
	s7 =	smul.u32 $0xC800, s0;
	v51 =	vor.u32 $0x1C04, v0;
	v52 =	vor.u32 $0x5, v0;
	v53 =	vor.u32 $0x405, v0;
	[tilespmem:$0x1FFB0] =	vst v8  }
0x11: {  	s16 =	simm.s32 $0x20000;
	s17 =	simm.s32 $0x5;
	s11 =	smul.u32 $0x64000, s0;
	v54 =	vor.u32 $0x805, v0;
	v55 =	vor.u32 $0xC05, v0;
	v56 =	vor.u32 $0x1005, v0;
	[tilespmem:$0x1FFC0] =	vst v9  }
0x12: {  	s18 =	simm.s32 $0x6;
	s19 =	simm.s32 $0x7;
	s9 =	smul.u32 $0x6400, s4;
	v57 =	vor.u32 $0x1405, v0;
	v58 =	vor.u32 $0x1805, v0;
	v59 =	vor.u32 $0x1C05, v0;
	[tilespmem:$0x1FFD0] =	vst v12  }
0x13: {  	s20 =	simm.s32 $0x8;
	s8 =	ssub.s32 $0x2, s4;
	s31 =	smul.u32 $0x32000, s4;
	v60 =	vor.u32 $0x6, v0;
	v61 =	vor.u32 $0x406, v0;
	v62 =	vor.u32 $0x806, v0;
	[tilespmem:$0x1FFE0] =	vst v17  }
0x14: {  	s21 =	simm.s32 $0x0;
	s4 =	sadd.s32 $0xF42A00, s5;
	s10 =	sshrl.u32 s8, $0x1;
	v63 =	vor.u32 $0xC06, v0;
	v13 =	vor.u32 $0x1006, v0;
	v1 =	vor.u32 $0x1407, v0;
	[tilespmem:$0x1FFF0] =	vst v19  }
0x15: {  	v10 =	vor.u32 $0x1406, v0;
	v15 =	vor.u32 $0x1806, v0;
	s8 =	ssub.s32 s8, s10;
	s7 =	sadd.s32 s9, s7;
	s6 =	sadd.s32 s6, s5;
	[tilespmem:$0x1FF50] =	vst v1;
	v1 =	vor.u32 $0x1807, v0  }
0x16: {  	v14 =	vor.u32 $0x1C06, v0;
	v16 =	vor.u32 $0x7, v0;
	s9 =	simm.s32 $0x9;
	s10 =	simm.s32 $0x80;
	s5 =	sadd.s32 $0x600, s6;
	[tilespmem:$0x1FF60] =	vst v1;
	v1 =	vor.u32 $0x1C07, v0  }
0x17: {  	v11 =	vor.u32 $0x407, v0;
	v18 =	vor.u32 $0x807, v0;
	v21 =	vor.u32 $0xC07, v0;
	s6 =	smax.u32 s8, $0x1;
	s8 =	sadd.s32 s31, s11;
	s11 =	simm.s32 $0x6400;
	[tilespmem:$0x1FF70] =	vst v1  }
.LBB2_1:
0x18: {  	[tilespmem:s3], [sflag:$0x9] =	stream.linear.gather [hbm4b:s5+s3], $0x6400, $0x38;
	[tilespmem:$0x16400] =	vst v63  }
0x19: {  	_ =	swait.ge [sflag:s9], $0x6400  }
0x1a: {  	[sflag:s9] =	ssyncset.done $0x0  }
0x1b: {  	[sflag:s9] =	ssyncadd.s32 $0xFFFF9C00  }
0x1c: {  	[tilespmem:s11], [sflag:$0x1] =	stream.indirect.gather [hbm4b:s4+s10], $0x40, s3, s10, $0xb8;
	[tilespmem:$0x16400] =	vst v63  }
0x1d: {  	s22 =	simm.s32 $0x3  }
0x1e: {  	[tilespmem:s12], [sflag:$0x2] =	stream.indirect.gather [hbm4b:s4+s10], $0x40, s10, s10, $0xb8;
	[tilespmem:$0x16400] =	vst v63  }
0x1f: {  	s23 =	simm.s32 $0x180;
	s24 =	smov.u32 s8;
	s25 =	smov.u32 s7  }
0x20: {  	[tilespmem:s14], [sflag:$0x3] =	stream.indirect.gather [hbm4b:s4+s10], $0x40, s13, s10, $0xb8;
	[tilespmem:$0x16400] =	vst v63  }
.LBB2_2:
0x21: {  	s26 =	sadd.s32 $0xFFFFFFFD, s22  }
0x22: {  	s28 =	sand.u32 $0x3, s26  }
0x23: {  	s29 =	sadd.s32 $0x1, s28  }
0x24: {  	_ =	swait.ge [sflag:s29], $0x2000  }
0x25: {  	p0 =	slt.u32 s26, $0x4;
	[sflag:s29] =	ssyncset.done $0x0  }
0x26: {  	[sflag:s29] =	ssyncadd.s32 $0xFFFFE000;
	s29 =	sadd.s32 @!p0 $0x5, s28  }
0x27: {  	_ =	swait.ge @!p0 [sflag:s29], $0x2000  }
0x28: {  	[sflag:s29] =	ssyncset.done @!p0 $0x0  }
0x29: {  	[sflag:s29] =	ssyncadd.s32 @!p0 $0xFFFFE000;
	s29 =	sshll.u32 s28, $0xD  }
0x2a: {  	v1 =	vld.idx.msk [tilespmem:v0+s29+$0x6400], $0xffff;
	_ =	sdelay $0x4  }
0x2b: {  	v1 =	vmul.f32 $8.000000000e+00, v1;
	_ =	sdelay $0x1  }
0x2c: {  	[tilespmem:s29+$0xE400] =	vst v1  }
0x2d: {  	v1 =	vld.idx.msk [tilespmem:v2+s29+$0x6400], $0xffff;
	_ =	sdelay $0x4  }
0x2e: {  	v1 =	vmul.f32 $8.000000000e+00, v1  }
0x2f: {  	v2 =	vld.idx.msk [tilespmem:v20+s29+$0x6400], $0xffff  }
0x30: {  	[tilespmem:s29+$0xE410] =	vst v1  }
0x31: {  	v1 =	vld.idx.msk [tilespmem:v3+s29+$0x6400], $0xffff;
	_ =	sdelay $0x2  }
0x32: {  	v2 =	vmul.f32 $8.000000000e+00, v2;
	_ =	sdelay $0x1  }
0x33: {  	[tilespmem:s29+$0xE480] =	vst v2;
	v1 =	vmul.f32 $8.000000000e+00, v1  }
0x34: {  	v2 =	vld.idx.msk [tilespmem:v19+s29+$0x6400], $0xffff  }
0x35: {  	[tilespmem:s29+$0xE420] =	vst v1  }
0x36: {  	v1 =	vld.idx.msk [tilespmem:v4+s29+$0x6400], $0xffff;
	_ =	sdelay $0x2  }
0x37: {  	v2 =	vmul.f32 $8.000000000e+00, v2;
	_ =	sdelay $0x1  }
0x38: {  	[tilespmem:s29+$0xE490] =	vst v2;
	v1 =	vmul.f32 $8.000000000e+00, v1  }
0x39: {  	v2 =	vld.idx.msk [tilespmem:v22+s29+$0x6400], $0xffff  }
0x3a: {  	[tilespmem:s29+$0xE430] =	vst v1  }
0x3b: {  	v1 =	vld.idx.msk [tilespmem:v8+s29+$0x6400], $0xffff;
	_ =	sdelay $0x2  }
0x3c: {  	v2 =	vmul.f32 $8.000000000e+00, v2;
	_ =	sdelay $0x1  }
0x3d: {  	[tilespmem:s29+$0xE4A0] =	vst v2;
	v1 =	vmul.f32 $8.000000000e+00, v1  }
0x3e: {  	v2 =	vld.idx.msk [tilespmem:v23+s29+$0x6400], $0xffff  }
0x3f: {  	[tilespmem:s29+$0xE440] =	vst v1  }
0x40: {  	v1 =	vld.idx.msk [tilespmem:v9+s29+$0x6400], $0xffff;
	_ =	sdelay $0x2  }
0x41: {  	v2 =	vmul.f32 $8.000000000e+00, v2;
	_ =	sdelay $0x1  }
0x42: {  	[tilespmem:s29+$0xE4B0] =	vst v2;
	v1 =	vmul.f32 $8.000000000e+00, v1  }
0x43: {  	v2 =	vld.idx.msk [tilespmem:v24+s29+$0x6400], $0xffff  }
0x44: {  	[tilespmem:s29+$0xE450] =	vst v1  }
0x45: {  	v1 =	vld.idx.msk [tilespmem:v12+s29+$0x6400], $0xffff;
	_ =	sdelay $0x2  }
0x46: {  	v2 =	vmul.f32 $8.000000000e+00, v2;
	_ =	sdelay $0x1  }
0x47: {  	[tilespmem:s29+$0xE4C0] =	vst v2;
	v2 =	vld.idx.msk [tilespmem:v28+s29+$0x6400], $0xffff;
	v1 =	vmul.f32 $8.000000000e+00, v1  }
0x48: {  	v3 =	vld.idx.msk [tilespmem:v36+s29+$0x6400], $0xffff  }
0x49: {  	v4 =	vld.idx.msk [tilespmem:v44+s29+$0x6400], $0xffff;
	[tilespmem:s29+$0xE460] =	vst v1  }
0x4a: {  	v1 =	vld.idx.msk [tilespmem:v17+s29+$0x6400], $0xffff  }
0x4b: {  	v5 =	vld.idx.msk [tilespmem:v52+s29+$0x6400], $0xffff  }
0x4c: {  	v6 =	vld.idx.msk [tilespmem:v60+s29+$0x6400], $0xffff;
	v2 =	vmul.f32 $8.000000000e+00, v2  }
0x4d: {  	v7 =	vld.idx.msk [tilespmem:v16+s29+$0x6400], $0xffff;
	v3 =	vmul.f32 $8.000000000e+00, v3  }
0x4e: {  	[tilespmem:s29+$0xE500] =	vst v2;
	v2 =	vmul.f32 $8.000000000e+00, v4  }
0x4f: {  	[tilespmem:s29+$0xE580] =	vst v3;
	v4 =	vld.idx.msk [tilespmem:v29+s29+$0x6400], $0xffff;
	v1 =	vmul.f32 $8.000000000e+00, v1  }
0x50: {  	v3 =	vmul.f32 $8.000000000e+00, v5;
	v5 =	vld.idx.msk [tilespmem:v37+s29+$0x6400], $0xffff;
	[tilespmem:s29+$0xE600] =	vst v2  }
0x51: {  	v2 =	vmul.f32 $8.000000000e+00, v6;
	v6 =	vor.u32 $0x8, v0;
	[tilespmem:s29+$0xE470] =	vst v1;
	v1 =	vld.idx.msk [tilespmem:v25+s29+$0x6400], $0xffff  }
0x52: {  	v8 =	vld.idx.msk [tilespmem:v45+s29+$0x6400], $0xffff;
	[tilespmem:s29+$0xE680] =	vst v3;
	v3 =	vmul.f32 $8.000000000e+00, v7  }
0x53: {  	[tilespmem:s29+$0xE700] =	vst v2;
	v7 =	vld.idx.msk [tilespmem:v53+s29+$0x6400], $0xffff  }
0x54: {  	v2 =	vld.idx.msk [tilespmem:v61+s29+$0x6400], $0xffff;
	[tilespmem:s29+$0xE780] =	vst v3;
	v3 =	vmul.f32 $8.000000000e+00, v4  }
0x55: {  	v4 =	vld.idx.msk [tilespmem:v11+s29+$0x6400], $0xffff  }
0x56: {  	v5 =	vmul.f32 $8.000000000e+00, v5;
	v6 =	vld.idx.msk [tilespmem:v6+s29+$0x6400], $0xffff;
	[tilespmem:s29+$0xE510] =	vst v3  }
0x57: {  	v3 =	vmul.f32 $8.000000000e+00, v8;
	v8 =	vld.idx.msk [tilespmem:v30+s29+$0x6400], $0xffff  }
0x58: {  	[tilespmem:s29+$0xE590] =	vst v5;
	v5 =	vmul.f32 $8.000000000e+00, v7  }
0x59: {  	v7 =	vld.idx.msk [tilespmem:v38+s29+$0x6400], $0xffff;
	v2 =	vmul.f32 $8.000000000e+00, v2;
	[tilespmem:s29+$0xE610] =	vst v3;
	v3 =	vor.u32 $0x408, v0  }
0x5a: {  	v9 =	vld.idx.msk [tilespmem:v46+s29+$0x6400], $0xffff;
	[tilespmem:s29+$0xE690] =	vst v5;
	v4 =	vmul.f32 $8.000000000e+00, v4  }
0x5b: {  	[tilespmem:s29+$0xE710] =	vst v2;
	v2 =	vmul.f32 $8.000000000e+00, v6;
	v5 =	vld.idx.msk [tilespmem:v54+s29+$0x6400], $0xffff  }
0x5c: {  	v6 =	vld.idx.msk [tilespmem:v62+s29+$0x6400], $0xffff;
	[tilespmem:s29+$0xE790] =	vst v4;
	v4 =	vmul.f32 $8.000000000e+00, v8  }
0x5d: {  	[tilespmem:s29+$0xE800] =	vst v2;
	v8 =	vld.idx.msk [tilespmem:v18+s29+$0x6400], $0xffff  }
0x5e: {  	v2 =	vmul.f32 $8.000000000e+00, v7;
	v3 =	vld.idx.msk [tilespmem:v3+s29+$0x6400], $0xffff;
	[tilespmem:s29+$0xE520] =	vst v4  }
0x5f: {  	v4 =	vmul.f32 $8.000000000e+00, v9;
	v7 =	vld.idx.msk [tilespmem:v31+s29+$0x6400], $0xffff  }
0x60: {  	[tilespmem:s29+$0xE5A0] =	vst v2;
	v2 =	vmul.f32 $8.000000000e+00, v5  }
0x61: {  	v5 =	vld.idx.msk [tilespmem:v39+s29+$0x6400], $0xffff;
	[tilespmem:s29+$0xE620] =	vst v4;
	v4 =	vmul.f32 $8.000000000e+00, v6;
	v6 =	vor.u32 $0x808, v0  }
0x62: {  	[tilespmem:s29+$0xE6A0] =	vst v2;
	v2 =	vmul.f32 $8.000000000e+00, v8  }
0x63: {  	v8 =	vld.idx.msk [tilespmem:v55+s29+$0x6400], $0xffff;
	v3 =	vmul.f32 $8.000000000e+00, v3  }
0x64: {  	[tilespmem:s29+$0xE7A0] =	vst v2;
	v2 =	vmul.f32 $8.000000000e+00, v7  }
0x65: {  	v7 =	vld.idx.msk [tilespmem:v21+s29+$0x6400], $0xffff;
	[tilespmem:s29+$0xE810] =	vst v3  }
0x66: {  	v3 =	vmul.f32 $8.000000000e+00, v5;
	v5 =	vld.idx.msk [tilespmem:v6+s29+$0x6400], $0xffff;
	[tilespmem:s29+$0xE530] =	vst v2  }
0x67: {  	v6 =	vld.idx.msk [tilespmem:v32+s29+$0x6400], $0xffff  }
0x68: {  	[tilespmem:s29+$0xE5B0] =	vst v3;
	v3 =	vmul.f32 $8.000000000e+00, v8  }
0x69: {  	v9 =	vld.idx.msk [tilespmem:v47+s29+$0x6400], $0xffff;
	[tilespmem:s29+$0xE720] =	vst v4  }
0x6a: {  	[tilespmem:s29+$0xE6B0] =	vst v3;
	v3 =	vmul.f32 $8.000000000e+00, v7  }
0x6b: {  	v4 =	vld.idx.msk [tilespmem:v63+s29+$0x6400], $0xffff  }
0x6c: {  	[tilespmem:s29+$0xE7B0] =	vst v3;
	v3 =	vmul.f32 $8.000000000e+00, v6;
	v6 =	vld [tilespmem:$0x1FF40];
	_ =	sdelay $0x1  }
0x6d: {  	v2 =	vmul.f32 $8.000000000e+00, v9;
	_ =	sdelay $0x1  }
0x6e: {  	v8 =	vld.idx.msk [tilespmem:v40+s29+$0x6400], $0xffff;
	[tilespmem:s29+$0xE630] =	vst v2;
	v2 =	vmul.f32 $8.000000000e+00, v4;
	_ =	sdelay $0x1  }
0x6f: {  	v7 =	vld.idx.msk [tilespmem:v56+s29+$0x6400], $0xffff;
	[tilespmem:s29+$0xE730] =	vst v2;
	v2 =	vmul.f32 $8.000000000e+00, v5;
	_ =	sdelay $0x1  }
0x70: {  	[tilespmem:s29+$0xE820] =	vst v2;
	v6 =	vld.idx.msk [tilespmem:v6+s29+$0x6400], $0xffff  }
0x71: {  	v2 =	vmul.f32 $8.000000000e+00, v8;
	[tilespmem:s29+$0xE540] =	vst v3  }
0x72: {  	v8 =	vld.idx.msk [tilespmem:v33+s29+$0x6400], $0xffff  }
0x73: {  	[tilespmem:s29+$0xE5C0] =	vst v2;
	v2 =	vmul.f32 $8.000000000e+00, v7;
	_ =	sdelay $0x1  }
0x74: {  	[tilespmem:s29+$0xE6C0] =	vst v2;
	v2 =	vmul.f32 $8.000000000e+00, v6;
	_ =	sdelay $0x1  }
0x75: {  	[tilespmem:s29+$0xE7C0] =	vst v2;
	v2 =	vmul.f32 $8.000000000e+00, v8;
	v8 =	vld [tilespmem:$0x1FF50];
	_ =	sdelay $0x1  }
0x76: {  	v4 =	vor.u32 $0xC08, v0  }
0x77: {  	v9 =	vld.idx.msk [tilespmem:v48+s29+$0x6400], $0xffff  }
0x78: {  	v7 =	vld.idx.msk [tilespmem:v41+s29+$0x6400], $0xffff  }
0x79: {  	v5 =	vld.idx.msk [tilespmem:v13+s29+$0x6400], $0xffff  }
0x7a: {  	v1 =	vmul.f32 $8.000000000e+00, v1;
	v6 =	vld.idx.msk [tilespmem:v57+s29+$0x6400], $0xffff  }
0x7b: {  	v4 =	vld.idx.msk [tilespmem:v4+s29+$0x6400], $0xffff  }
0x7c: {  	[tilespmem:s29+$0xE4D0] =	vst v1;
	v3 =	vmul.f32 $8.000000000e+00, v9;
	v8 =	vld.idx.msk [tilespmem:v8+s29+$0x6400], $0xffff  }
0x7d: {  	v1 =	vmul.f32 $8.000000000e+00, v7;
	[tilespmem:s29+$0xE550] =	vst v2  }
0x7e: {  	[tilespmem:s29+$0xE640] =	vst v3;
	v3 =	vmul.f32 $8.000000000e+00, v5;
	v7 =	vld.idx.msk [tilespmem:v34+s29+$0x6400], $0xffff  }
0x7f: {  	v5 =	vor.u32 $0x1008, v0;
	[tilespmem:s29+$0xE5D0] =	vst v1;
	v1 =	vmul.f32 $8.000000000e+00, v6  }
0x80: {  	v9 =	vld.idx.msk [tilespmem:v49+s29+$0x6400], $0xffff;
	[tilespmem:s29+$0xE740] =	vst v3;
	v3 =	vmul.f32 $8.000000000e+00, v4  }
0x81: {  	[tilespmem:s29+$0xE6D0] =	vst v1;
	v1 =	vmul.f32 $8.000000000e+00, v8  }
0x82: {  	v4 =	vld.idx.msk [tilespmem:v10+s29+$0x6400], $0xffff;
	[tilespmem:s29+$0xE830] =	vst v3  }
0x83: {  	[tilespmem:s29+$0xE7D0] =	vst v1;
	v1 =	vmul.f32 $8.000000000e+00, v7;
	v7 =	vld [tilespmem:$0x1FF60]  }
0x84: {  	v3 =	vld.idx.msk [tilespmem:v5+s29+$0x6400], $0xffff  }
0x85: {  	v5 =	vld.idx.msk [tilespmem:v26+s29+$0x6400], $0xffff;
	v2 =	vmul.f32 $8.000000000e+00, v9  }
0x86: {  	v12 =	vld [tilespmem:$0x1FF70]  }
0x87: {  	v6 =	vld.idx.msk [tilespmem:v42+s29+$0x6400], $0xffff;
	[tilespmem:s29+$0xE650] =	vst v2;
	v2 =	vmul.f32 $8.000000000e+00, v4;
	v4 =	vor.u32 $0x1408, v0  }
0x88: {  	v9 =	vld.idx.msk [tilespmem:v50+s29+$0x6400], $0xffff  }
0x89: {  	[tilespmem:s29+$0xE750] =	vst v2;
	v2 =	vmul.f32 $8.000000000e+00, v3;
	v8 =	vld.idx.msk [tilespmem:v58+s29+$0x6400], $0xffff  }
0x8a: {  	v3 =	vmul.f32 $8.000000000e+00, v5;
	v5 =	vld.idx.msk [tilespmem:v15+s29+$0x6400], $0xffff  }
0x8b: {  	[tilespmem:s29+$0xE840] =	vst v2;
	v7 =	vld.idx.msk [tilespmem:v7+s29+$0x6400], $0xffff  }
0x8c: {  	[tilespmem:s29+$0xE4E0] =	vst v3;
	v2 =	vmul.f32 $8.000000000e+00, v6;
	v3 =	vld.idx.msk [tilespmem:v4+s29+$0x6400], $0xffff  }
0x8d: {  	v4 =	vld.idx.msk [tilespmem:v27+s29+$0x6400], $0xffff;
	[tilespmem:s29+$0xE560] =	vst v1;
	v1 =	vmul.f32 $8.000000000e+00, v9  }
0x8e: {  	[tilespmem:s29+$0xE5E0] =	vst v2;
	v6 =	vld.idx.msk [tilespmem:v35+s29+$0x6400], $0xffff;
	v2 =	vmul.f32 $8.000000000e+00, v8  }
0x8f: {  	v8 =	vld.idx.msk [tilespmem:v43+s29+$0x6400], $0xffff;
	[tilespmem:s29+$0xE660] =	vst v1;
	v1 =	vmul.f32 $8.000000000e+00, v5;
	v5 =	vor.u32 $0x1808, v0  }
0x90: {  	v9 =	vld.idx.msk [tilespmem:v51+s29+$0x6400], $0xffff;
	[tilespmem:s29+$0xE6E0] =	vst v2;
	v2 =	vmul.f32 $8.000000000e+00, v7;
	v7 =	vor.u32 $0x9, v0  }
0x91: {  	v17 =	vmovc v13;
	v13 =	vmov v10;
	v10 =	vld.idx.msk [tilespmem:v59+s29+$0x6400], $0xffff;
	[tilespmem:s29+$0xE760] =	vst v1;
	v1 =	vmul.f32 $8.000000000e+00, v3;
	v3 =	vor.u32 $0xA, v0  }
0x92: {  	v19 =	vmovc v15;
	v15 =	vmov v11;
	v4 =	vmul.f32 $8.000000000e+00, v4;
	v11 =	vld.idx.msk [tilespmem:v14+s29+$0x6400], $0xffff;
	[tilespmem:s29+$0xE7E0] =	vst v2;
	v2 =	vor.u32 $0xB, v0  }
0x93: {  	v6 =	vmul.f32 $8.000000000e+00, v6;
	[tilespmem:s29+$0xE850] =	vst v1;
	v1 =	vor.u32 $0xC, v0;
	v12 =	vld.idx.msk [tilespmem:v12+s29+$0x6400], $0xffff  }
0x94: {  	[tilespmem:s29+$0xE4F0] =	vst v4;
	v4 =	vmul.f32 $8.000000000e+00, v8;
	v8 =	vor.u32 $0xD, v0;
	v5 =	vld.idx.msk [tilespmem:v5+s29+$0x6400], $0xffff  }
0x95: {  	[tilespmem:s29+$0xE570] =	vst v6;
	v6 =	vmul.f32 $8.000000000e+00, v9;
	v9 =	vor.u32 $0xE, v0;
	v7 =	vld.idx.msk [tilespmem:v7+s29+$0x6400], $0xffff  }
0x96: {  	[tilespmem:s29+$0xE5F0] =	vst v4;
	v4 =	vmul.f32 $8.000000000e+00, v10;
	v3 =	vld.idx.msk [tilespmem:v3+s29+$0x6400], $0xffff;
	v10 =	vor.u32 $0xF, v0  }
0x97: {  	[tilespmem:s29+$0xE670] =	vst v6;
	v6 =	vmul.f32 $8.000000000e+00, v11;
	v11 =	vor.u32 $0x1C08, v0;
	v2 =	vld.idx.msk [tilespmem:v2+s29+$0x6400], $0xffff  }
0x98: {  	[tilespmem:s29+$0xE6F0] =	vst v4;
	v1 =	vld.idx.msk [tilespmem:v1+s29+$0x6400], $0xffff;
	v4 =	vmul.f32 $8.000000000e+00, v12;
	v12 =	vor.u32 $0x409, v0  }
0x99: {  	v8 =	vld.idx.msk [tilespmem:v8+s29+$0x6400], $0xffff;
	[tilespmem:s29+$0xE770] =	vst v6;
	v5 =	vmul.f32 $8.000000000e+00, v5;
	v6 =	vor.u32 $0x40A, v0  }
0x9a: {  	v9 =	vld.idx.msk [tilespmem:v9+s29+$0x6400], $0xffff;
	[tilespmem:s29+$0xE7F0] =	vst v4;
	v4 =	vmul.f32 $8.000000000e+00, v7;
	v7 =	vor.u32 $0x40B, v0  }
0x9b: {  	[tilespmem:s29+$0xE860] =	vst v5;
	v3 =	vmul.f32 $8.000000000e+00, v3;
	v5 =	vor.u32 $0x40C, v0;
	v10 =	vld.idx.msk [tilespmem:v10+s29+$0x6400], $0xffff  }
0x9c: {  	v11 =	vld.idx.msk [tilespmem:v11+s29+$0x6400], $0xffff;
	[tilespmem:s29+$0xE880] =	vst v4;
	v2 =	vmul.f32 $8.000000000e+00, v2;
	v4 =	vor.u32 $0x40D, v0  }
0x9d: {  	[tilespmem:s29+$0xE900] =	vst v3;
	v1 =	vmul.f32 $8.000000000e+00, v1;
	v3 =	vor.u32 $0x40E, v0;
	v12 =	vld.idx.msk [tilespmem:v12+s29+$0x6400], $0xffff  }
0x9e: {  	v6 =	vld.idx.msk [tilespmem:v6+s29+$0x6400], $0xffff;
	[tilespmem:s29+$0xE980] =	vst v2;
	v2 =	vmul.f32 $8.000000000e+00, v8;
	v8 =	vor.u32 $0x40F, v0  }
0x9f: {  	[tilespmem:s29+$0xEA00] =	vst v1;
	v1 =	vmul.f32 $8.000000000e+00, v9;
	v9 =	vor.u32 $0x10, v0;
	v7 =	vld.idx.msk [tilespmem:v7+s29+$0x6400], $0xffff  }
0xa0: {  	v5 =	vld.idx.msk [tilespmem:v5+s29+$0x6400], $0xffff;
	v10 =	vmul.f32 $8.000000000e+00, v10;
	[tilespmem:s29+$0xEA80] =	vst v2;
	v2 =	vor.u32 $0x809, v0  }
0xa1: {  	v11 =	vmul.f32 $8.000000000e+00, v11;
	[tilespmem:s29+$0xEB00] =	vst v1;
	v1 =	vor.u32 $0x80A, v0;
	v4 =	vld.idx.msk [tilespmem:v4+s29+$0x6400], $0xffff  }
0xa2: {  	[tilespmem:s29+$0xEB80] =	vst v10;
	v10 =	vor.u32 $0x80B, v0;
	v3 =	vld.idx.msk [tilespmem:v3+s29+$0x6400], $0xffff;
	v12 =	vmul.f32 $8.000000000e+00, v12  }
0xa3: {  	[tilespmem:s29+$0xE870] =	vst v11;
	v6 =	vmul.f32 $8.000000000e+00, v6;
	v11 =	vor.u32 $0x80C, v0;
	v8 =	vld.idx.msk [tilespmem:v8+s29+$0x6400], $0xffff  }
0xa4: {  	v9 =	vld.idx.msk [tilespmem:v9+s29+$0x6400], $0xffff;
	[tilespmem:s29+$0xE890] =	vst v12;
	v7 =	vmul.f32 $8.000000000e+00, v7;
	v12 =	vor.u32 $0x80D, v0  }
0xa5: {  	[tilespmem:s29+$0xE910] =	vst v6;
	v5 =	vmul.f32 $8.000000000e+00, v5;
	v6 =	vor.u32 $0x80E, v0;
	v2 =	vld.idx.msk [tilespmem:v2+s29+$0x6400], $0xffff  }
0xa6: {  	v1 =	vld.idx.msk [tilespmem:v1+s29+$0x6400], $0xffff;
	[tilespmem:s29+$0xE990] =	vst v7;
	v4 =	vmul.f32 $8.000000000e+00, v4;
	v7 =	vor.u32 $0x80F, v0  }
0xa7: {  	[tilespmem:s29+$0xEA10] =	vst v5;
	v3 =	vmul.f32 $8.000000000e+00, v3;
	v5 =	vor.u32 $0x410, v0;
	v10 =	vld.idx.msk [tilespmem:v10+s29+$0x6400], $0xffff  }
0xa8: {  	v11 =	vld.idx.msk [tilespmem:v11+s29+$0x6400], $0xffff;
	[tilespmem:s29+$0xEA90] =	vst v4;
	v4 =	vor.u32 $0xC09, v0;
	v8 =	vmul.f32 $8.000000000e+00, v8  }
0xa9: {  	[tilespmem:s29+$0xEB10] =	vst v3;
	v3 =	vor.u32 $0xC0A, v0;
	v9 =	vmul.f32 $8.000000000e+00, v9;
	v12 =	vld.idx.msk [tilespmem:v12+s29+$0x6400], $0xffff  }
0xaa: {  	v6 =	vld.idx.msk [tilespmem:v6+s29+$0x6400], $0xffff;
	v2 =	vmul.f32 $8.000000000e+00, v2;
	[tilespmem:s29+$0xEB90] =	vst v8;
	v8 =	vor.u32 $0xC0B, v0  }
0xab: {  	v1 =	vmul.f32 $8.000000000e+00, v1;
	[tilespmem:s29+$0xEC00] =	vst v9;
	v9 =	vor.u32 $0xC0C, v0;
	v7 =	vld.idx.msk [tilespmem:v7+s29+$0x6400], $0xffff  }
0xac: {  	v5 =	vld.idx.msk [tilespmem:v5+s29+$0x6400], $0xffff;
	[tilespmem:s29+$0xE8A0] =	vst v2;
	v2 =	vmul.f32 $8.000000000e+00, v10;
	v10 =	vor.u32 $0xC0D, v0  }
0xad: {  	[tilespmem:s29+$0xE920] =	vst v1;
	v1 =	vmul.f32 $8.000000000e+00, v11;
	v11 =	vor.u32 $0xC0E, v0;
	v4 =	vld.idx.msk [tilespmem:v4+s29+$0x6400], $0xffff  }
0xae: {  	v3 =	vld.idx.msk [tilespmem:v3+s29+$0x6400], $0xffff;
	[tilespmem:s29+$0xE9A0] =	vst v2;
	v2 =	vmul.f32 $8.000000000e+00, v12;
	v12 =	vor.u32 $0xC0F, v0  }
0xaf: {  	[tilespmem:s29+$0xEA20] =	vst v1;
	v1 =	vmul.f32 $8.000000000e+00, v6;
	v6 =	vor.u32 $0x810, v0;
	v8 =	vld.idx.msk [tilespmem:v8+s29+$0x6400], $0xffff  }
0xb0: {  	v9 =	vld.idx.msk [tilespmem:v9+s29+$0x6400], $0xffff;
	[tilespmem:s29+$0xEAA0] =	vst v2;
	v2 =	vor.u32 $0x1009, v0;
	v7 =	vmul.f32 $8.000000000e+00, v7  }
0xb1: {  	[tilespmem:s29+$0xEB20] =	vst v1;
	v1 =	vor.u32 $0x100A, v0;
	v5 =	vmul.f32 $8.000000000e+00, v5;
	v10 =	vld.idx.msk [tilespmem:v10+s29+$0x6400], $0xffff  }
0xb2: {  	v11 =	vld.idx.msk [tilespmem:v11+s29+$0x6400], $0xffff;
	v4 =	vmul.f32 $8.000000000e+00, v4;
	[tilespmem:s29+$0xEBA0] =	vst v7;
	v7 =	vor.u32 $0x100B, v0  }
0xb3: {  	v3 =	vmul.f32 $8.000000000e+00, v3;
	[tilespmem:s29+$0xEC10] =	vst v5;
	v5 =	vor.u32 $0x100C, v0;
	v12 =	vld.idx.msk [tilespmem:v12+s29+$0x6400], $0xffff  }
0xb4: {  	v6 =	vld.idx.msk [tilespmem:v6+s29+$0x6400], $0xffff;
	[tilespmem:s29+$0xE8B0] =	vst v4;
	v4 =	vmul.f32 $8.000000000e+00, v8;
	v8 =	vor.u32 $0x100D, v0  }
0xb5: {  	[tilespmem:s29+$0xE930] =	vst v3;
	v3 =	vmul.f32 $8.000000000e+00, v9;
	v9 =	vor.u32 $0x100E, v0;
	v2 =	vld.idx.msk [tilespmem:v2+s29+$0x6400], $0xffff  }
0xb6: {  	v1 =	vld.idx.msk [tilespmem:v1+s29+$0x6400], $0xffff;
	[tilespmem:s29+$0xE9B0] =	vst v4;
	v4 =	vmul.f32 $8.000000000e+00, v10;
	v10 =	vor.u32 $0x100F, v0  }
0xb7: {  	[tilespmem:s29+$0xEA30] =	vst v3;
	v3 =	vmul.f32 $8.000000000e+00, v11;
	v11 =	vor.u32 $0xC10, v0;
	v7 =	vld.idx.msk [tilespmem:v7+s29+$0x6400], $0xffff  }
0xb8: {  	v5 =	vld.idx.msk [tilespmem:v5+s29+$0x6400], $0xffff;
	[tilespmem:s29+$0xEAB0] =	vst v4;
	v4 =	vor.u32 $0x1409, v0;
	v12 =	vmul.f32 $8.000000000e+00, v12  }
0xb9: {  	[tilespmem:s29+$0xEB30] =	vst v3;
	v3 =	vor.u32 $0x140A, v0;
	v6 =	vmul.f32 $8.000000000e+00, v6;
	v8 =	vld.idx.msk [tilespmem:v8+s29+$0x6400], $0xffff  }
0xba: {  	v9 =	vld.idx.msk [tilespmem:v9+s29+$0x6400], $0xffff;
	v2 =	vmul.f32 $8.000000000e+00, v2;
	[tilespmem:s29+$0xEBB0] =	vst v12;
	v12 =	vor.u32 $0x140B, v0  }
0xbb: {  	v1 =	vmul.f32 $8.000000000e+00, v1;
	[tilespmem:s29+$0xEC20] =	vst v6;
	v6 =	vor.u32 $0x140C, v0;
	v10 =	vld.idx.msk [tilespmem:v10+s29+$0x6400], $0xffff  }
0xbc: {  	v11 =	vld.idx.msk [tilespmem:v11+s29+$0x6400], $0xffff;
	[tilespmem:s29+$0xE8C0] =	vst v2;
	v2 =	vmul.f32 $8.000000000e+00, v7;
	v7 =	vor.u32 $0x140D, v0  }
0xbd: {  	[tilespmem:s29+$0xE940] =	vst v1;
	v1 =	vmul.f32 $8.000000000e+00, v5;
	v5 =	vor.u32 $0x140E, v0;
	v4 =	vld.idx.msk [tilespmem:v4+s29+$0x6400], $0xffff  }
0xbe: {  	v3 =	vld.idx.msk [tilespmem:v3+s29+$0x6400], $0xffff;
	[tilespmem:s29+$0xE9C0] =	vst v2;
	v2 =	vmul.f32 $8.000000000e+00, v8;
	v8 =	vor.u32 $0x140F, v0  }
0xbf: {  	[tilespmem:s29+$0xEA40] =	vst v1;
	v1 =	vmul.f32 $8.000000000e+00, v9;
	v9 =	vor.u32 $0x1010, v0;
	v12 =	vld.idx.msk [tilespmem:v12+s29+$0x6400], $0xffff  }
0xc0: {  	v6 =	vld.idx.msk [tilespmem:v6+s29+$0x6400], $0xffff;
	[tilespmem:s29+$0xEAC0] =	vst v2;
	v2 =	vor.u32 $0x1809, v0;
	v10 =	vmul.f32 $8.000000000e+00, v10  }
0xc1: {  	[tilespmem:s29+$0xEB40] =	vst v1;
	v1 =	vor.u32 $0x180A, v0;
	v11 =	vmul.f32 $8.000000000e+00, v11;
	v7 =	vld.idx.msk [tilespmem:v7+s29+$0x6400], $0xffff  }
0xc2: {  	v5 =	vld.idx.msk [tilespmem:v5+s29+$0x6400], $0xffff;
	v4 =	vmul.f32 $8.000000000e+00, v4;
	[tilespmem:s29+$0xEBC0] =	vst v10;
	v10 =	vor.u32 $0x180B, v0  }
0xc3: {  	v3 =	vmul.f32 $8.000000000e+00, v3;
	[tilespmem:s29+$0xEC30] =	vst v11;
	v11 =	vor.u32 $0x180C, v0;
	v8 =	vld.idx.msk [tilespmem:v8+s29+$0x6400], $0xffff  }
0xc4: {  	v9 =	vld.idx.msk [tilespmem:v9+s29+$0x6400], $0xffff;
	[tilespmem:s29+$0xE8D0] =	vst v4;
	v4 =	vmul.f32 $8.000000000e+00, v12;
	v12 =	vor.u32 $0x180D, v0  }
0xc5: {  	[tilespmem:s29+$0xE950] =	vst v3;
	v3 =	vmul.f32 $8.000000000e+00, v6;
	v6 =	vor.u32 $0x180E, v0;
	v2 =	vld.idx.msk [tilespmem:v2+s29+$0x6400], $0xffff  }
0xc6: {  	v1 =	vld.idx.msk [tilespmem:v1+s29+$0x6400], $0xffff;
	[tilespmem:s29+$0xE9D0] =	vst v4;
	v4 =	vmul.f32 $8.000000000e+00, v7;
	v7 =	vor.u32 $0x180F, v0  }
0xc7: {  	[tilespmem:s29+$0xEA50] =	vst v3;
	v3 =	vmul.f32 $8.000000000e+00, v5;
	v5 =	vor.u32 $0x1410, v0;
	v10 =	vld.idx.msk [tilespmem:v10+s29+$0x6400], $0xffff  }
0xc8: {  	v11 =	vld.idx.msk [tilespmem:v11+s29+$0x6400], $0xffff;
	[tilespmem:s29+$0xEAD0] =	vst v4;
	v4 =	vor.u32 $0x1C09, v0;
	v8 =	vmul.f32 $8.000000000e+00, v8  }
0xc9: {  	[tilespmem:s29+$0xEB50] =	vst v3;
	v3 =	vor.u32 $0x1C0A, v0;
	v9 =	vmul.f32 $8.000000000e+00, v9;
	v12 =	vld.idx.msk [tilespmem:v12+s29+$0x6400], $0xffff  }
0xca: {  	v6 =	vld.idx.msk [tilespmem:v6+s29+$0x6400], $0xffff;
	v2 =	vmul.f32 $8.000000000e+00, v2;
	[tilespmem:s29+$0xEBD0] =	vst v8;
	v8 =	vor.u32 $0x1C0B, v0  }
0xcb: {  	v1 =	vmul.f32 $8.000000000e+00, v1;
	[tilespmem:s29+$0xEC40] =	vst v9;
	v9 =	vor.u32 $0x1C0C, v0;
	v7 =	vld.idx.msk [tilespmem:v7+s29+$0x6400], $0xffff  }
0xcc: {  	v5 =	vld.idx.msk [tilespmem:v5+s29+$0x6400], $0xffff;
	[tilespmem:s29+$0xE8E0] =	vst v2;
	v2 =	vmul.f32 $8.000000000e+00, v10;
	v10 =	vor.u32 $0x1C0D, v0  }
0xcd: {  	[tilespmem:s29+$0xE960] =	vst v1;
	v1 =	vmul.f32 $8.000000000e+00, v11;
	v11 =	vor.u32 $0x1C0E, v0;
	v4 =	vld.idx.msk [tilespmem:v4+s29+$0x6400], $0xffff  }
0xce: {  	v3 =	vld.idx.msk [tilespmem:v3+s29+$0x6400], $0xffff;
	[tilespmem:s29+$0xE9E0] =	vst v2;
	v2 =	vmul.f32 $8.000000000e+00, v12;
	v12 =	vor.u32 $0x1C0F, v0  }
0xcf: {  	[tilespmem:s29+$0xEA60] =	vst v1;
	v1 =	vmul.f32 $8.000000000e+00, v6;
	v6 =	vor.u32 $0x1810, v0;
	v8 =	vld.idx.msk [tilespmem:v8+s29+$0x6400], $0xffff  }
0xd0: {  	v9 =	vld.idx.msk [tilespmem:v9+s29+$0x6400], $0xffff;
	[tilespmem:s29+$0xEAE0] =	vst v2;
	v2 =	vmul.f32 $8.000000000e+00, v7;
	v7 =	vor.u32 $0x11, v0  }
0xd1: {  	[tilespmem:s29+$0xEB60] =	vst v1;
	v1 =	vmul.f32 $8.000000000e+00, v5;
	v5 =	vor.u32 $0x12, v0;
	v10 =	vld.idx.msk [tilespmem:v10+s29+$0x6400], $0xffff  }
0xd2: {  	v11 =	vld.idx.msk [tilespmem:v11+s29+$0x6400], $0xffff;
	v4 =	vmul.f32 $8.000000000e+00, v4;
	[tilespmem:s29+$0xEBE0] =	vst v2;
	v2 =	vor.u32 $0x13, v0  }
0xd3: {  	v3 =	vmul.f32 $8.000000000e+00, v3;
	[tilespmem:s29+$0xEC50] =	vst v1;
	v1 =	vor.u32 $0x14, v0;
	v12 =	vld.idx.msk [tilespmem:v12+s29+$0x6400], $0xffff  }
0xd4: {  	v6 =	vld.idx.msk [tilespmem:v6+s29+$0x6400], $0xffff;
	[tilespmem:s29+$0xE8F0] =	vst v4;
	v4 =	vmul.f32 $8.000000000e+00, v8;
	v8 =	vor.u32 $0x15, v0  }
0xd5: {  	[tilespmem:s29+$0xE970] =	vst v3;
	v3 =	vmul.f32 $8.000000000e+00, v9;
	v9 =	vor.u32 $0x16, v0;
	v7 =	vld.idx.msk [tilespmem:v7+s29+$0x6400], $0xffff  }
0xd6: {  	v5 =	vld.idx.msk [tilespmem:v5+s29+$0x6400], $0xffff;
	[tilespmem:s29+$0xE9F0] =	vst v4;
	v4 =	vmul.f32 $8.000000000e+00, v10;
	v10 =	vor.u32 $0x17, v0  }
0xd7: {  	[tilespmem:s29+$0xEA70] =	vst v3;
	v3 =	vmul.f32 $8.000000000e+00, v11;
	v11 =	vor.u32 $0x1C10, v0;
	v2 =	vld.idx.msk [tilespmem:v2+s29+$0x6400], $0xffff  }
0xd8: {  	v1 =	vld.idx.msk [tilespmem:v1+s29+$0x6400], $0xffff;
	[tilespmem:s29+$0xEAF0] =	vst v4;
	v4 =	vmul.f32 $8.000000000e+00, v12;
	v12 =	vor.u32 $0x411, v0  }
0xd9: {  	[tilespmem:s29+$0xEB70] =	vst v3;
	v3 =	vmul.f32 $8.000000000e+00, v6;
	v6 =	vor.u32 $0x412, v0;
	v8 =	vld.idx.msk [tilespmem:v8+s29+$0x6400], $0xffff  }
0xda: {  	v9 =	vld.idx.msk [tilespmem:v9+s29+$0x6400], $0xffff;
	[tilespmem:s29+$0xEBF0] =	vst v4;
	v4 =	vmul.f32 $8.000000000e+00, v7;
	v7 =	vor.u32 $0x413, v0  }
0xdb: {  	[tilespmem:s29+$0xEC60] =	vst v3;
	v3 =	vmul.f32 $8.000000000e+00, v5;
	v5 =	vor.u32 $0x414, v0;
	v10 =	vld.idx.msk [tilespmem:v10+s29+$0x6400], $0xffff  }
0xdc: {  	v11 =	vld.idx.msk [tilespmem:v11+s29+$0x6400], $0xffff;
	[tilespmem:s29+$0xEC80] =	vst v4;
	v2 =	vmul.f32 $8.000000000e+00, v2;
	v4 =	vor.u32 $0x415, v0  }
0xdd: {  	[tilespmem:s29+$0xED00] =	vst v3;
	v1 =	vmul.f32 $8.000000000e+00, v1;
	v3 =	vor.u32 $0x416, v0;
	v12 =	vld.idx.msk [tilespmem:v12+s29+$0x6400], $0xffff  }
0xde: {  	v6 =	vld.idx.msk [tilespmem:v6+s29+$0x6400], $0xffff;
	[tilespmem:s29+$0xED80] =	vst v2;
	v2 =	vmul.f32 $8.000000000e+00, v8;
	v8 =	vor.u32 $0x417, v0  }
0xdf: {  	[tilespmem:s29+$0xEE00] =	vst v1;
	v1 =	vmul.f32 $8.000000000e+00, v9;
	v9 =	vor.u32 $0x18, v0;
	v7 =	vld.idx.msk [tilespmem:v7+s29+$0x6400], $0xffff  }
0xe0: {  	v5 =	vld.idx.msk [tilespmem:v5+s29+$0x6400], $0xffff;
	[tilespmem:s29+$0xEE80] =	vst v2;
	v2 =	vor.u32 $0x811, v0;
	v10 =	vmul.f32 $8.000000000e+00, v10  }
0xe1: {  	v11 =	vmul.f32 $8.000000000e+00, v11;
	[tilespmem:s29+$0xEF00] =	vst v1;
	v1 =	vor.u32 $0x812, v0;
	v4 =	vld.idx.msk [tilespmem:v4+s29+$0x6400], $0xffff  }
0xe2: {  	v3 =	vld.idx.msk [tilespmem:v3+s29+$0x6400], $0xffff;
	v12 =	vmul.f32 $8.000000000e+00, v12;
	[tilespmem:s29+$0xEF80] =	vst v10;
	v10 =	vor.u32 $0x813, v0  }
0xe3: {  	[tilespmem:s29+$0xEC70] =	vst v11;
	v6 =	vmul.f32 $8.000000000e+00, v6;
	v11 =	vor.u32 $0x814, v0;
	v8 =	vld.idx.msk [tilespmem:v8+s29+$0x6400], $0xffff  }
0xe4: {  	v9 =	vld.idx.msk [tilespmem:v9+s29+$0x6400], $0xffff;
	[tilespmem:s29+$0xEC90] =	vst v12;
	v7 =	vmul.f32 $8.000000000e+00, v7;
	v12 =	vor.u32 $0x815, v0  }
0xe5: {  	[tilespmem:s29+$0xED10] =	vst v6;
	v5 =	vmul.f32 $8.000000000e+00, v5;
	v6 =	vor.u32 $0x816, v0;
	v2 =	vld.idx.msk [tilespmem:v2+s29+$0x6400], $0xffff  }
0xe6: {  	v1 =	vld.idx.msk [tilespmem:v1+s29+$0x6400], $0xffff;
	[tilespmem:s29+$0xED90] =	vst v7;
	v4 =	vmul.f32 $8.000000000e+00, v4;
	v7 =	vor.u32 $0x817, v0  }
0xe7: {  	[tilespmem:s29+$0xEE10] =	vst v5;
	v3 =	vmul.f32 $8.000000000e+00, v3;
	v5 =	vor.u32 $0x418, v0;
	v10 =	vld.idx.msk [tilespmem:v10+s29+$0x6400], $0xffff  }
0xe8: {  	v11 =	vld.idx.msk [tilespmem:v11+s29+$0x6400], $0xffff;
	[tilespmem:s29+$0xEE90] =	vst v4;
	v4 =	vor.u32 $0xC11, v0;
	v8 =	vmul.f32 $8.000000000e+00, v8  }
0xe9: {  	[tilespmem:s29+$0xEF10] =	vst v3;
	v3 =	vor.u32 $0xC12, v0;
	v9 =	vmul.f32 $8.000000000e+00, v9;
	v12 =	vld.idx.msk [tilespmem:v12+s29+$0x6400], $0xffff  }
0xea: {  	v6 =	vld.idx.msk [tilespmem:v6+s29+$0x6400], $0xffff;
	v2 =	vmul.f32 $8.000000000e+00, v2;
	[tilespmem:s29+$0xEF90] =	vst v8;
	v8 =	vor.u32 $0xC13, v0  }
0xeb: {  	v1 =	vmul.f32 $8.000000000e+00, v1;
	[tilespmem:s29+$0xF000] =	vst v9;
	v9 =	vor.u32 $0xC14, v0;
	v7 =	vld.idx.msk [tilespmem:v7+s29+$0x6400], $0xffff  }
0xec: {  	v5 =	vld.idx.msk [tilespmem:v5+s29+$0x6400], $0xffff;
	[tilespmem:s29+$0xECA0] =	vst v2;
	v2 =	vmul.f32 $8.000000000e+00, v10;
	v10 =	vor.u32 $0xC15, v0  }
0xed: {  	[tilespmem:s29+$0xED20] =	vst v1;
	v1 =	vmul.f32 $8.000000000e+00, v11;
	v11 =	vor.u32 $0xC16, v0;
	v4 =	vld.idx.msk [tilespmem:v4+s29+$0x6400], $0xffff  }
0xee: {  	v3 =	vld.idx.msk [tilespmem:v3+s29+$0x6400], $0xffff;
	[tilespmem:s29+$0xEDA0] =	vst v2;
	v2 =	vmul.f32 $8.000000000e+00, v12;
	v12 =	vor.u32 $0xC17, v0  }
0xef: {  	[tilespmem:s29+$0xEE20] =	vst v1;
	v1 =	vmul.f32 $8.000000000e+00, v6;
	v6 =	vor.u32 $0x818, v0;
	v8 =	vld.idx.msk [tilespmem:v8+s29+$0x6400], $0xffff  }
0xf0: {  	v9 =	vld.idx.msk [tilespmem:v9+s29+$0x6400], $0xffff;
	[tilespmem:s29+$0xEEA0] =	vst v2;
	v2 =	vor.u32 $0x1011, v0;
	v7 =	vmul.f32 $8.000000000e+00, v7  }
0xf1: {  	[tilespmem:s29+$0xEF20] =	vst v1;
	v1 =	vor.u32 $0x1012, v0;
	v5 =	vmul.f32 $8.000000000e+00, v5;
	v10 =	vld.idx.msk [tilespmem:v10+s29+$0x6400], $0xffff  }
0xf2: {  	v11 =	vld.idx.msk [tilespmem:v11+s29+$0x6400], $0xffff;
	v4 =	vmul.f32 $8.000000000e+00, v4;
	[tilespmem:s29+$0xEFA0] =	vst v7;
	v7 =	vor.u32 $0x1013, v0  }
0xf3: {  	v3 =	vmul.f32 $8.000000000e+00, v3;
	[tilespmem:s29+$0xF010] =	vst v5;
	v5 =	vor.u32 $0x1014, v0;
	v12 =	vld.idx.msk [tilespmem:v12+s29+$0x6400], $0xffff  }
0xf4: {  	v6 =	vld.idx.msk [tilespmem:v6+s29+$0x6400], $0xffff;
	[tilespmem:s29+$0xECB0] =	vst v4;
	v4 =	vmul.f32 $8.000000000e+00, v8;
	v8 =	vor.u32 $0x1015, v0  }
0xf5: {  	[tilespmem:s29+$0xED30] =	vst v3;
	v3 =	vmul.f32 $8.000000000e+00, v9;
	v9 =	vor.u32 $0x1016, v0;
	v2 =	vld.idx.msk [tilespmem:v2+s29+$0x6400], $0xffff  }
0xf6: {  	v1 =	vld.idx.msk [tilespmem:v1+s29+$0x6400], $0xffff;
	[tilespmem:s29+$0xEDB0] =	vst v4;
	v4 =	vmul.f32 $8.000000000e+00, v10;
	v10 =	vor.u32 $0x1017, v0  }
0xf7: {  	[tilespmem:s29+$0xEE30] =	vst v3;
	v3 =	vmul.f32 $8.000000000e+00, v11;
	v11 =	vor.u32 $0xC18, v0;
	v7 =	vld.idx.msk [tilespmem:v7+s29+$0x6400], $0xffff  }
0xf8: {  	v5 =	vld.idx.msk [tilespmem:v5+s29+$0x6400], $0xffff;
	[tilespmem:s29+$0xEEB0] =	vst v4;
	v4 =	vor.u32 $0x1411, v0;
	v12 =	vmul.f32 $8.000000000e+00, v12  }
0xf9: {  	[tilespmem:s29+$0xEF30] =	vst v3;
	v3 =	vor.u32 $0x1412, v0;
	v6 =	vmul.f32 $8.000000000e+00, v6;
	v8 =	vld.idx.msk [tilespmem:v8+s29+$0x6400], $0xffff  }
0xfa: {  	v9 =	vld.idx.msk [tilespmem:v9+s29+$0x6400], $0xffff;
	v2 =	vmul.f32 $8.000000000e+00, v2;
	[tilespmem:s29+$0xEFB0] =	vst v12;
	v12 =	vor.u32 $0x1413, v0  }
0xfb: {  	v1 =	vmul.f32 $8.000000000e+00, v1;
	[tilespmem:s29+$0xF020] =	vst v6;
	v6 =	vor.u32 $0x1414, v0;
	v10 =	vld.idx.msk [tilespmem:v10+s29+$0x6400], $0xffff  }
0xfc: {  	v11 =	vld.idx.msk [tilespmem:v11+s29+$0x6400], $0xffff;
	[tilespmem:s29+$0xECC0] =	vst v2;
	v2 =	vmul.f32 $8.000000000e+00, v7;
	v7 =	vor.u32 $0x1415, v0  }
0xfd: {  	[tilespmem:s29+$0xED40] =	vst v1;
	v1 =	vmul.f32 $8.000000000e+00, v5;
	v5 =	vor.u32 $0x1416, v0;
	v4 =	vld.idx.msk [tilespmem:v4+s29+$0x6400], $0xffff  }
0xfe: {  	v3 =	vld.idx.msk [tilespmem:v3+s29+$0x6400], $0xffff;
	[tilespmem:s29+$0xEDC0] =	vst v2;
	v2 =	vmul.f32 $8.000000000e+00, v8;
	v8 =	vor.u32 $0x1417, v0  }
0xff: {  	[tilespmem:s29+$0xEE40] =	vst v1;
	v1 =	vmul.f32 $8.000000000e+00, v9;
	v9 =	vor.u32 $0x1018, v0;
	v12 =	vld.idx.msk [tilespmem:v12+s29+$0x6400], $0xffff  }
0x100: {  	v6 =	vld.idx.msk [tilespmem:v6+s29+$0x6400], $0xffff;
	[tilespmem:s29+$0xEEC0] =	vst v2;
	v2 =	vor.u32 $0x1811, v0;
	v10 =	vmul.f32 $8.000000000e+00, v10  }
0x101: {  	[tilespmem:s29+$0xEF40] =	vst v1;
	v1 =	vor.u32 $0x1812, v0;
	v11 =	vmul.f32 $8.000000000e+00, v11;
	v7 =	vld.idx.msk [tilespmem:v7+s29+$0x6400], $0xffff  }
0x102: {  	v5 =	vld.idx.msk [tilespmem:v5+s29+$0x6400], $0xffff;
	v4 =	vmul.f32 $8.000000000e+00, v4;
	[tilespmem:s29+$0xEFC0] =	vst v10;
	v10 =	vor.u32 $0x1813, v0  }
0x103: {  	v3 =	vmul.f32 $8.000000000e+00, v3;
	[tilespmem:s29+$0xF030] =	vst v11;
	v11 =	vor.u32 $0x1814, v0;
	v8 =	vld.idx.msk [tilespmem:v8+s29+$0x6400], $0xffff  }
0x104: {  	v9 =	vld.idx.msk [tilespmem:v9+s29+$0x6400], $0xffff;
	[tilespmem:s29+$0xECD0] =	vst v4;
	v4 =	vmul.f32 $8.000000000e+00, v12;
	v12 =	vor.u32 $0x1815, v0  }
0x105: {  	[tilespmem:s29+$0xED50] =	vst v3;
	v3 =	vmul.f32 $8.000000000e+00, v6;
	v6 =	vor.u32 $0x1816, v0;
	v2 =	vld.idx.msk [tilespmem:v2+s29+$0x6400], $0xffff  }
0x106: {  	v1 =	vld.idx.msk [tilespmem:v1+s29+$0x6400], $0xffff;
	[tilespmem:s29+$0xEDD0] =	vst v4;
	v4 =	vmul.f32 $8.000000000e+00, v7;
	v7 =	vor.u32 $0x1817, v0  }
0x107: {  	[tilespmem:s29+$0xEE50] =	vst v3;
	v3 =	vmul.f32 $8.000000000e+00, v5;
	v5 =	vor.u32 $0x1418, v0;
	v10 =	vld.idx.msk [tilespmem:v10+s29+$0x6400], $0xffff  }
0x108: {  	v11 =	vld.idx.msk [tilespmem:v11+s29+$0x6400], $0xffff;
	[tilespmem:s29+$0xEED0] =	vst v4;
	v4 =	vor.u32 $0x1C11, v0;
	v8 =	vmul.f32 $8.000000000e+00, v8  }
0x109: {  	[tilespmem:s29+$0xEF50] =	vst v3;
	v3 =	vor.u32 $0x1C12, v0;
	v9 =	vmul.f32 $8.000000000e+00, v9;
	v12 =	vld.idx.msk [tilespmem:v12+s29+$0x6400], $0xffff  }
0x10a: {  	v6 =	vld.idx.msk [tilespmem:v6+s29+$0x6400], $0xffff;
	v2 =	vmul.f32 $8.000000000e+00, v2;
	[tilespmem:s29+$0xEFD0] =	vst v8;
	v8 =	vor.u32 $0x1C13, v0  }
0x10b: {  	v1 =	vmul.f32 $8.000000000e+00, v1;
	[tilespmem:s29+$0xF040] =	vst v9;
	v9 =	vor.u32 $0x1C14, v0;
	v7 =	vld.idx.msk [tilespmem:v7+s29+$0x6400], $0xffff  }
0x10c: {  	v5 =	vld.idx.msk [tilespmem:v5+s29+$0x6400], $0xffff;
	[tilespmem:s29+$0xECE0] =	vst v2;
	v2 =	vmul.f32 $8.000000000e+00, v10;
	v10 =	vor.u32 $0x1C15, v0  }
0x10d: {  	[tilespmem:s29+$0xED60] =	vst v1;
	v1 =	vmul.f32 $8.000000000e+00, v11;
	v11 =	vor.u32 $0x1C16, v0;
	v4 =	vld.idx.msk [tilespmem:v4+s29+$0x6400], $0xffff  }
0x10e: {  	v3 =	vld.idx.msk [tilespmem:v3+s29+$0x6400], $0xffff;
	[tilespmem:s29+$0xEDE0] =	vst v2;
	v2 =	vmul.f32 $8.000000000e+00, v12;
	v12 =	vor.u32 $0x1C17, v0  }
0x10f: {  	[tilespmem:s29+$0xEE60] =	vst v1;
	v1 =	vmul.f32 $8.000000000e+00, v6;
	v6 =	vor.u32 $0x1818, v0;
	v8 =	vld.idx.msk [tilespmem:v8+s29+$0x6400], $0xffff  }
0x110: {  	v9 =	vld.idx.msk [tilespmem:v9+s29+$0x6400], $0xffff;
	[tilespmem:s29+$0xEEE0] =	vst v2;
	v2 =	vmul.f32 $8.000000000e+00, v7;
	v7 =	vor.u32 $0x19, v0  }
0x111: {  	[tilespmem:s29+$0xEF60] =	vst v1;
	v1 =	vmul.f32 $8.000000000e+00, v5;
	v5 =	vor.u32 $0x1A, v0;
	v10 =	vld.idx.msk [tilespmem:v10+s29+$0x6400], $0xffff  }
0x112: {  	v11 =	vld.idx.msk [tilespmem:v11+s29+$0x6400], $0xffff;
	v4 =	vmul.f32 $8.000000000e+00, v4;
	[tilespmem:s29+$0xEFE0] =	vst v2;
	v2 =	vor.u32 $0x1B, v0  }
0x113: {  	v3 =	vmul.f32 $8.000000000e+00, v3;
	[tilespmem:s29+$0xF050] =	vst v1;
	v1 =	vor.u32 $0x1C, v0;
	v12 =	vld.idx.msk [tilespmem:v12+s29+$0x6400], $0xffff  }
0x114: {  	v6 =	vld.idx.msk [tilespmem:v6+s29+$0x6400], $0xffff;
	[tilespmem:s29+$0xECF0] =	vst v4;
	v4 =	vmul.f32 $8.000000000e+00, v8;
	v8 =	vor.u32 $0x1D, v0  }
0x115: {  	[tilespmem:s29+$0xED70] =	vst v3;
	v3 =	vmul.f32 $8.000000000e+00, v9;
	v9 =	vor.u32 $0x1E, v0;
	v7 =	vld.idx.msk [tilespmem:v7+s29+$0x6400], $0xffff  }
0x116: {  	v5 =	vld.idx.msk [tilespmem:v5+s29+$0x6400], $0xffff;
	[tilespmem:s29+$0xEDF0] =	vst v4;
	v4 =	vmul.f32 $8.000000000e+00, v10;
	v10 =	vor.u32 $0x1F, v0  }
0x117: {  	[tilespmem:s29+$0xEE70] =	vst v3;
	v3 =	vmul.f32 $8.000000000e+00, v11;
	v11 =	vor.u32 $0x1C18, v0;
	v2 =	vld.idx.msk [tilespmem:v2+s29+$0x6400], $0xffff  }
0x118: {  	v1 =	vld.idx.msk [tilespmem:v1+s29+$0x6400], $0xffff;
	[tilespmem:s29+$0xEEF0] =	vst v4;
	v4 =	vmul.f32 $8.000000000e+00, v12;
	v12 =	vor.u32 $0x419, v0  }
0x119: {  	[tilespmem:s29+$0xEF70] =	vst v3;
	v3 =	vmul.f32 $8.000000000e+00, v6;
	v6 =	vor.u32 $0x41A, v0;
	v8 =	vld.idx.msk [tilespmem:v8+s29+$0x6400], $0xffff  }
0x11a: {  	v9 =	vld.idx.msk [tilespmem:v9+s29+$0x6400], $0xffff;
	[tilespmem:s29+$0xEFF0] =	vst v4;
	v4 =	vmul.f32 $8.000000000e+00, v7;
	v7 =	vor.u32 $0x41B, v0  }
0x11b: {  	[tilespmem:s29+$0xF060] =	vst v3;
	v3 =	vmul.f32 $8.000000000e+00, v5;
	v5 =	vor.u32 $0x41C, v0;
	v10 =	vld.idx.msk [tilespmem:v10+s29+$0x6400], $0xffff  }
0x11c: {  	v11 =	vld.idx.msk [tilespmem:v11+s29+$0x6400], $0xffff;
	[tilespmem:s29+$0xF080] =	vst v4;
	v2 =	vmul.f32 $8.000000000e+00, v2;
	v4 =	vor.u32 $0x41D, v0  }
0x11d: {  	[tilespmem:s29+$0xF100] =	vst v3;
	v1 =	vmul.f32 $8.000000000e+00, v1;
	v3 =	vor.u32 $0x41E, v0;
	v12 =	vld.idx.msk [tilespmem:v12+s29+$0x6400], $0xffff  }
0x11e: {  	v6 =	vld.idx.msk [tilespmem:v6+s29+$0x6400], $0xffff;
	[tilespmem:s29+$0xF180] =	vst v2;
	v2 =	vmul.f32 $8.000000000e+00, v8;
	v8 =	vor.u32 $0x41F, v0  }
0x11f: {  	[tilespmem:s29+$0xF200] =	vst v1;
	v1 =	vmul.f32 $8.000000000e+00, v9;
	v9 =	vor.u32 $0x20, v0;
	v7 =	vld.idx.msk [tilespmem:v7+s29+$0x6400], $0xffff  }
0x120: {  	v5 =	vld.idx.msk [tilespmem:v5+s29+$0x6400], $0xffff;
	[tilespmem:s29+$0xF280] =	vst v2;
	v2 =	vor.u32 $0x819, v0;
	v10 =	vmul.f32 $8.000000000e+00, v10  }
0x121: {  	v11 =	vmul.f32 $8.000000000e+00, v11;
	[tilespmem:s29+$0xF300] =	vst v1;
	v1 =	vor.u32 $0x81A, v0;
	v4 =	vld.idx.msk [tilespmem:v4+s29+$0x6400], $0xffff  }
0x122: {  	v3 =	vld.idx.msk [tilespmem:v3+s29+$0x6400], $0xffff;
	v12 =	vmul.f32 $8.000000000e+00, v12;
	[tilespmem:s29+$0xF380] =	vst v10;
	v10 =	vor.u32 $0x81B, v0  }
0x123: {  	[tilespmem:s29+$0xF070] =	vst v11;
	v6 =	vmul.f32 $8.000000000e+00, v6;
	v11 =	vor.u32 $0x81C, v0;
	v8 =	vld.idx.msk [tilespmem:v8+s29+$0x6400], $0xffff  }
0x124: {  	v9 =	vld.idx.msk [tilespmem:v9+s29+$0x6400], $0xffff;
	[tilespmem:s29+$0xF090] =	vst v12;
	v7 =	vmul.f32 $8.000000000e+00, v7;
	v12 =	vor.u32 $0x81D, v0  }
0x125: {  	[tilespmem:s29+$0xF110] =	vst v6;
	v5 =	vmul.f32 $8.000000000e+00, v5;
	v6 =	vor.u32 $0x81E, v0;
	v2 =	vld.idx.msk [tilespmem:v2+s29+$0x6400], $0xffff  }
0x126: {  	v1 =	vld.idx.msk [tilespmem:v1+s29+$0x6400], $0xffff;
	[tilespmem:s29+$0xF190] =	vst v7;
	v4 =	vmul.f32 $8.000000000e+00, v4;
	v7 =	vor.u32 $0x81F, v0  }
0x127: {  	[tilespmem:s29+$0xF210] =	vst v5;
	v3 =	vmul.f32 $8.000000000e+00, v3;
	v5 =	vor.u32 $0x420, v0;
	v10 =	vld.idx.msk [tilespmem:v10+s29+$0x6400], $0xffff  }
0x128: {  	v11 =	vld.idx.msk [tilespmem:v11+s29+$0x6400], $0xffff;
	[tilespmem:s29+$0xF290] =	vst v4;
	v4 =	vor.u32 $0xC19, v0;
	v8 =	vmul.f32 $8.000000000e+00, v8  }
0x129: {  	[tilespmem:s29+$0xF310] =	vst v3;
	v3 =	vor.u32 $0xC1A, v0;
	v9 =	vmul.f32 $8.000000000e+00, v9;
	v12 =	vld.idx.msk [tilespmem:v12+s29+$0x6400], $0xffff  }
0x12a: {  	v6 =	vld.idx.msk [tilespmem:v6+s29+$0x6400], $0xffff;
	v2 =	vmul.f32 $8.000000000e+00, v2;
	[tilespmem:s29+$0xF390] =	vst v8;
	v8 =	vor.u32 $0xC1B, v0  }
0x12b: {  	v1 =	vmul.f32 $8.000000000e+00, v1;
	[tilespmem:s29+$0xF400] =	vst v9;
	v9 =	vor.u32 $0xC1C, v0;
	v7 =	vld.idx.msk [tilespmem:v7+s29+$0x6400], $0xffff  }
0x12c: {  	v5 =	vld.idx.msk [tilespmem:v5+s29+$0x6400], $0xffff;
	[tilespmem:s29+$0xF0A0] =	vst v2;
	v2 =	vmul.f32 $8.000000000e+00, v10;
	v10 =	vor.u32 $0xC1D, v0  }
0x12d: {  	[tilespmem:s29+$0xF120] =	vst v1;
	v1 =	vmul.f32 $8.000000000e+00, v11;
	v11 =	vor.u32 $0xC1E, v0;
	v4 =	vld.idx.msk [tilespmem:v4+s29+$0x6400], $0xffff  }
0x12e: {  	v3 =	vld.idx.msk [tilespmem:v3+s29+$0x6400], $0xffff;
	[tilespmem:s29+$0xF1A0] =	vst v2;
	v2 =	vmul.f32 $8.000000000e+00, v12;
	v12 =	vor.u32 $0xC1F, v0  }
0x12f: {  	[tilespmem:s29+$0xF220] =	vst v1;
	v1 =	vmul.f32 $8.000000000e+00, v6;
	v6 =	vor.u32 $0x820, v0;
	v8 =	vld.idx.msk [tilespmem:v8+s29+$0x6400], $0xffff  }
0x130: {  	v9 =	vld.idx.msk [tilespmem:v9+s29+$0x6400], $0xffff;
	[tilespmem:s29+$0xF2A0] =	vst v2;
	v2 =	vor.u32 $0x1019, v0;
	v7 =	vmul.f32 $8.000000000e+00, v7  }
0x131: {  	[tilespmem:s29+$0xF320] =	vst v1;
	v1 =	vor.u32 $0x101A, v0;
	v5 =	vmul.f32 $8.000000000e+00, v5;
	v10 =	vld.idx.msk [tilespmem:v10+s29+$0x6400], $0xffff  }
0x132: {  	v11 =	vld.idx.msk [tilespmem:v11+s29+$0x6400], $0xffff;
	v4 =	vmul.f32 $8.000000000e+00, v4;
	[tilespmem:s29+$0xF3A0] =	vst v7;
	v7 =	vor.u32 $0x101B, v0  }
0x133: {  	v3 =	vmul.f32 $8.000000000e+00, v3;
	[tilespmem:s29+$0xF410] =	vst v5;
	v5 =	vor.u32 $0x101C, v0;
	v12 =	vld.idx.msk [tilespmem:v12+s29+$0x6400], $0xffff  }
0x134: {  	v6 =	vld.idx.msk [tilespmem:v6+s29+$0x6400], $0xffff;
	[tilespmem:s29+$0xF0B0] =	vst v4;
	v4 =	vmul.f32 $8.000000000e+00, v8;
	v8 =	vor.u32 $0x101D, v0  }
0x135: {  	[tilespmem:s29+$0xF130] =	vst v3;
	v3 =	vmul.f32 $8.000000000e+00, v9;
	v9 =	vor.u32 $0x101E, v0;
	v2 =	vld.idx.msk [tilespmem:v2+s29+$0x6400], $0xffff  }
0x136: {  	v1 =	vld.idx.msk [tilespmem:v1+s29+$0x6400], $0xffff;
	[tilespmem:s29+$0xF1B0] =	vst v4;
	v4 =	vmul.f32 $8.000000000e+00, v10;
	v10 =	vor.u32 $0x101F, v0  }
0x137: {  	[tilespmem:s29+$0xF230] =	vst v3;
	v3 =	vmul.f32 $8.000000000e+00, v11;
	v11 =	vor.u32 $0xC20, v0;
	v7 =	vld.idx.msk [tilespmem:v7+s29+$0x6400], $0xffff  }
0x138: {  	v5 =	vld.idx.msk [tilespmem:v5+s29+$0x6400], $0xffff;
	[tilespmem:s29+$0xF2B0] =	vst v4;
	v4 =	vor.u32 $0x1419, v0;
	v12 =	vmul.f32 $8.000000000e+00, v12  }
0x139: {  	[tilespmem:s29+$0xF330] =	vst v3;
	v3 =	vor.u32 $0x141A, v0;
	v6 =	vmul.f32 $8.000000000e+00, v6;
	v8 =	vld.idx.msk [tilespmem:v8+s29+$0x6400], $0xffff  }
0x13a: {  	v9 =	vld.idx.msk [tilespmem:v9+s29+$0x6400], $0xffff;
	v2 =	vmul.f32 $8.000000000e+00, v2;
	[tilespmem:s29+$0xF3B0] =	vst v12;
	v12 =	vor.u32 $0x141B, v0  }
0x13b: {  	v1 =	vmul.f32 $8.000000000e+00, v1;
	[tilespmem:s29+$0xF420] =	vst v6;
	v6 =	vor.u32 $0x141C, v0;
	v10 =	vld.idx.msk [tilespmem:v10+s29+$0x6400], $0xffff  }
0x13c: {  	v11 =	vld.idx.msk [tilespmem:v11+s29+$0x6400], $0xffff;
	[tilespmem:s29+$0xF0C0] =	vst v2;
	v2 =	vmul.f32 $8.000000000e+00, v7;
	v7 =	vor.u32 $0x141D, v0  }
0x13d: {  	[tilespmem:s29+$0xF140] =	vst v1;
	v1 =	vmul.f32 $8.000000000e+00, v5;
	v5 =	vor.u32 $0x141E, v0;
	v4 =	vld.idx.msk [tilespmem:v4+s29+$0x6400], $0xffff  }
0x13e: {  	v3 =	vld.idx.msk [tilespmem:v3+s29+$0x6400], $0xffff;
	[tilespmem:s29+$0xF1C0] =	vst v2;
	v2 =	vmul.f32 $8.000000000e+00, v8;
	v8 =	vor.u32 $0x141F, v0  }
0x13f: {  	[tilespmem:s29+$0xF240] =	vst v1;
	v1 =	vmul.f32 $8.000000000e+00, v9;
	v9 =	vor.u32 $0x1020, v0;
	v12 =	vld.idx.msk [tilespmem:v12+s29+$0x6400], $0xffff  }
0x140: {  	v6 =	vld.idx.msk [tilespmem:v6+s29+$0x6400], $0xffff;
	[tilespmem:s29+$0xF2C0] =	vst v2;
	v2 =	vor.u32 $0x1819, v0;
	v10 =	vmul.f32 $8.000000000e+00, v10  }
0x141: {  	[tilespmem:s29+$0xF340] =	vst v1;
	v1 =	vor.u32 $0x181A, v0;
	v11 =	vmul.f32 $8.000000000e+00, v11;
	v7 =	vld.idx.msk [tilespmem:v7+s29+$0x6400], $0xffff  }
0x142: {  	v5 =	vld.idx.msk [tilespmem:v5+s29+$0x6400], $0xffff;
	v4 =	vmul.f32 $8.000000000e+00, v4;
	[tilespmem:s29+$0xF3C0] =	vst v10;
	v10 =	vor.u32 $0x181B, v0  }
0x143: {  	v3 =	vmul.f32 $8.000000000e+00, v3;
	[tilespmem:s29+$0xF430] =	vst v11;
	v11 =	vor.u32 $0x181C, v0;
	v8 =	vld.idx.msk [tilespmem:v8+s29+$0x6400], $0xffff  }
0x144: {  	v9 =	vld.idx.msk [tilespmem:v9+s29+$0x6400], $0xffff;
	[tilespmem:s29+$0xF0D0] =	vst v4;
	v4 =	vmul.f32 $8.000000000e+00, v12;
	v12 =	vor.u32 $0x181D, v0  }
0x145: {  	[tilespmem:s29+$0xF150] =	vst v3;
	v3 =	vmul.f32 $8.000000000e+00, v6;
	v6 =	vor.u32 $0x181E, v0;
	v2 =	vld.idx.msk [tilespmem:v2+s29+$0x6400], $0xffff  }
0x146: {  	v1 =	vld.idx.msk [tilespmem:v1+s29+$0x6400], $0xffff;
	[tilespmem:s29+$0xF1D0] =	vst v4;
	v4 =	vmul.f32 $8.000000000e+00, v7;
	v7 =	vor.u32 $0x181F, v0  }
0x147: {  	[tilespmem:s29+$0xF250] =	vst v3;
	v3 =	vmul.f32 $8.000000000e+00, v5;
	v5 =	vor.u32 $0x1420, v0;
	v10 =	vld.idx.msk [tilespmem:v10+s29+$0x6400], $0xffff  }
0x148: {  	v11 =	vld.idx.msk [tilespmem:v11+s29+$0x6400], $0xffff;
	[tilespmem:s29+$0xF2D0] =	vst v4;
	v4 =	vor.u32 $0x1C19, v0;
	v8 =	vmul.f32 $8.000000000e+00, v8  }
0x149: {  	[tilespmem:s29+$0xF350] =	vst v3;
	v3 =	vor.u32 $0x1C1A, v0;
	v9 =	vmul.f32 $8.000000000e+00, v9;
	v12 =	vld.idx.msk [tilespmem:v12+s29+$0x6400], $0xffff  }
0x14a: {  	v6 =	vld.idx.msk [tilespmem:v6+s29+$0x6400], $0xffff;
	v2 =	vmul.f32 $8.000000000e+00, v2;
	[tilespmem:s29+$0xF3D0] =	vst v8;
	v8 =	vor.u32 $0x1C1B, v0  }
0x14b: {  	v1 =	vmul.f32 $8.000000000e+00, v1;
	[tilespmem:s29+$0xF440] =	vst v9;
	v9 =	vor.u32 $0x1C1C, v0;
	v7 =	vld.idx.msk [tilespmem:v7+s29+$0x6400], $0xffff  }
0x14c: {  	v5 =	vld.idx.msk [tilespmem:v5+s29+$0x6400], $0xffff;
	[tilespmem:s29+$0xF0E0] =	vst v2;
	v2 =	vmul.f32 $8.000000000e+00, v10;
	v10 =	vor.u32 $0x1C1D, v0  }
0x14d: {  	[tilespmem:s29+$0xF160] =	vst v1;
	v1 =	vmul.f32 $8.000000000e+00, v11;
	v11 =	vor.u32 $0x1C1E, v0;
	v4 =	vld.idx.msk [tilespmem:v4+s29+$0x6400], $0xffff  }
0x14e: {  	v3 =	vld.idx.msk [tilespmem:v3+s29+$0x6400], $0xffff;
	[tilespmem:s29+$0xF1E0] =	vst v2;
	v2 =	vmul.f32 $8.000000000e+00, v12;
	v12 =	vor.u32 $0x1C1F, v0  }
0x14f: {  	[tilespmem:s29+$0xF260] =	vst v1;
	v1 =	vmul.f32 $8.000000000e+00, v6;
	v6 =	vor.u32 $0x1820, v0;
	v8 =	vld.idx.msk [tilespmem:v8+s29+$0x6400], $0xffff  }
0x150: {  	v9 =	vld.idx.msk [tilespmem:v9+s29+$0x6400], $0xffff;
	[tilespmem:s29+$0xF2E0] =	vst v2;
	v2 =	vmul.f32 $8.000000000e+00, v7  }
0x151: {  	[tilespmem:s29+$0xF360] =	vst v1;
	v1 =	vmul.f32 $8.000000000e+00, v5;
	v7 =	vld.idx.msk [tilespmem:v10+s29+$0x6400], $0xffff  }
0x152: {  	v5 =	vld.idx.msk [tilespmem:v11+s29+$0x6400], $0xffff;
	v4 =	vmul.f32 $8.000000000e+00, v4;
	[tilespmem:s29+$0xF3E0] =	vst v2  }
0x153: {  	[tilespmem:s29+$0xF450] =	vst v1;
	v2 =	vmul.f32 $8.000000000e+00, v3;
	v3 =	vld.idx.msk [tilespmem:v12+s29+$0x6400], $0xffff  }
0x154: {  	[tilespmem:s29+$0xF0F0] =	vst v4;
	v1 =	vmul.f32 $8.000000000e+00, v8;
	v4 =	vld.idx.msk [tilespmem:v6+s29+$0x6400], $0xffff  }
0x155: {  	[tilespmem:s29+$0xF170] =	vst v2;
	v2 =	vmul.f32 $8.000000000e+00, v9  }
0x156: {  	[tilespmem:s29+$0xF1F0] =	vst v1;
	v1 =	vmul.f32 $8.000000000e+00, v7  }
0x157: {  	[tilespmem:s29+$0xF270] =	vst v2;
	v2 =	vmul.f32 $8.000000000e+00, v5;
	v5 =	vor.u32 $0x1C20, v0  }
0x158: {  	[tilespmem:s29+$0xF2F0] =	vst v1;
	v1 =	vmul.f32 $8.000000000e+00, v3;
	v3 =	vor.u32 $0x21, v0  }
0x159: {  	[tilespmem:s29+$0xF370] =	vst v2;
	v2 =	vmul.f32 $8.000000000e+00, v4;
	v4 =	vor.u32 $0x22, v0  }
0x15a: {  	v6 =	vor.u32 $0x23, v0  }
0x15b: {  	[tilespmem:s29+$0xF460] =	vst v2;
	v2 =	vor.u32 $0x24, v0  }
0x15c: {  	[tilespmem:s29+$0xF3F0] =	vst v1;
	v1 =	vld.idx.msk [tilespmem:v5+s29+$0x6400], $0xffff;
	v5 =	vor.u32 $0x25, v0  }
0x15d: {  	v7 =	vor.u32 $0x26, v0;
	v3 =	vld.idx.msk [tilespmem:v3+s29+$0x6400], $0xffff  }
0x15e: {  	v8 =	vor.u32 $0x27, v0;
	v4 =	vld.idx.msk [tilespmem:v4+s29+$0x6400], $0xffff  }
0x15f: {  	v6 =	vld.idx.msk [tilespmem:v6+s29+$0x6400], $0xffff  }
0x160: {  	v9 =	vor.u32 $0x421, v0;
	v2 =	vld.idx.msk [tilespmem:v2+s29+$0x6400], $0xffff  }
0x161: {  	v10 =	vor.u32 $0x422, v0;
	v5 =	vld.idx.msk [tilespmem:v5+s29+$0x6400], $0xffff  }
0x162: {  	v11 =	vor.u32 $0x423, v0;
	v7 =	vld.idx.msk [tilespmem:v7+s29+$0x6400], $0xffff;
	v3 =	vmul.f32 $8.000000000e+00, v3  }
0x163: {  	v12 =	vor.u32 $0x424, v0;
	v8 =	vld.idx.msk [tilespmem:v8+s29+$0x6400], $0xffff;
	v4 =	vmul.f32 $8.000000000e+00, v4  }
0x164: {  	[tilespmem:s29+$0xF480] =	vst v3;
	v3 =	vmul.f32 $8.000000000e+00, v6;
	v6 =	vor.u32 $0x425, v0  }
0x165: {  	v9 =	vld.idx.msk [tilespmem:v9+s29+$0x6400], $0xffff;
	[tilespmem:s29+$0xF500] =	vst v4;
	v2 =	vmul.f32 $8.000000000e+00, v2;
	v4 =	vor.u32 $0x426, v0  }
0x166: {  	v10 =	vld.idx.msk [tilespmem:v10+s29+$0x6400], $0xffff;
	[tilespmem:s29+$0xF580] =	vst v3;
	v3 =	vmul.f32 $8.000000000e+00, v5;
	v5 =	vor.u32 $0x427, v0  }
0x167: {  	v11 =	vld.idx.msk [tilespmem:v11+s29+$0x6400], $0xffff;
	[tilespmem:s29+$0xF600] =	vst v2;
	v2 =	vmul.f32 $8.000000000e+00, v7  }
0x168: {  	v7 =	vor.u32 $0x821, v0;
	v12 =	vld.idx.msk [tilespmem:v12+s29+$0x6400], $0xffff;
	[tilespmem:s29+$0xF680] =	vst v3;
	v3 =	vmul.f32 $8.000000000e+00, v8  }
0x169: {  	v8 =	vor.u32 $0x822, v0;
	v6 =	vld.idx.msk [tilespmem:v6+s29+$0x6400], $0xffff;
	[tilespmem:s29+$0xF700] =	vst v2  }
0x16a: {  	v2 =	vmul.f32 $8.000000000e+00, v9;
	v9 =	vor.u32 $0x823, v0;
	v4 =	vld.idx.msk [tilespmem:v4+s29+$0x6400], $0xffff;
	[tilespmem:s29+$0xF780] =	vst v3  }
0x16b: {  	v3 =	vmul.f32 $8.000000000e+00, v10;
	v10 =	vor.u32 $0x824, v0;
	v5 =	vld.idx.msk [tilespmem:v5+s29+$0x6400], $0xffff  }
0x16c: {  	[tilespmem:s29+$0xF490] =	vst v2;
	v2 =	vmul.f32 $8.000000000e+00, v11;
	v11 =	vor.u32 $0x825, v0  }
0x16d: {  	v7 =	vld.idx.msk [tilespmem:v7+s29+$0x6400], $0xffff;
	[tilespmem:s29+$0xF510] =	vst v3;
	v3 =	vmul.f32 $8.000000000e+00, v12;
	v12 =	vor.u32 $0x826, v0  }
0x16e: {  	v8 =	vld.idx.msk [tilespmem:v8+s29+$0x6400], $0xffff;
	[tilespmem:s29+$0xF590] =	vst v2;
	v2 =	vmul.f32 $8.000000000e+00, v6;
	v6 =	vor.u32 $0x827, v0  }
0x16f: {  	v9 =	vld.idx.msk [tilespmem:v9+s29+$0x6400], $0xffff;
	[tilespmem:s29+$0xF610] =	vst v3;
	v3 =	vmul.f32 $8.000000000e+00, v4  }
0x170: {  	v4 =	vor.u32 $0xC21, v0;
	v10 =	vld.idx.msk [tilespmem:v10+s29+$0x6400], $0xffff;
	[tilespmem:s29+$0xF690] =	vst v2;
	v2 =	vmul.f32 $8.000000000e+00, v5  }
0x171: {  	v5 =	vor.u32 $0xC22, v0;
	v11 =	vld.idx.msk [tilespmem:v11+s29+$0x6400], $0xffff;
	[tilespmem:s29+$0xF710] =	vst v3  }
0x172: {  	v3 =	vmul.f32 $8.000000000e+00, v7;
	v7 =	vor.u32 $0xC23, v0;
	v12 =	vld.idx.msk [tilespmem:v12+s29+$0x6400], $0xffff;
	[tilespmem:s29+$0xF790] =	vst v2  }
0x173: {  	v2 =	vmul.f32 $8.000000000e+00, v8;
	v8 =	vor.u32 $0xC24, v0;
	v6 =	vld.idx.msk [tilespmem:v6+s29+$0x6400], $0xffff  }
0x174: {  	[tilespmem:s29+$0xF4A0] =	vst v3;
	v3 =	vmul.f32 $8.000000000e+00, v9;
	v9 =	vor.u32 $0xC25, v0  }
0x175: {  	v4 =	vld.idx.msk [tilespmem:v4+s29+$0x6400], $0xffff;
	[tilespmem:s29+$0xF520] =	vst v2;
	v2 =	vmul.f32 $8.000000000e+00, v10;
	v10 =	vor.u32 $0xC26, v0  }
0x176: {  	v5 =	vld.idx.msk [tilespmem:v5+s29+$0x6400], $0xffff;
	[tilespmem:s29+$0xF5A0] =	vst v3;
	v3 =	vmul.f32 $8.000000000e+00, v11;
	v11 =	vor.u32 $0xC27, v0  }
0x177: {  	v7 =	vld.idx.msk [tilespmem:v7+s29+$0x6400], $0xffff;
	[tilespmem:s29+$0xF620] =	vst v2;
	v2 =	vmul.f32 $8.000000000e+00, v12  }
0x178: {  	v12 =	vor.u32 $0x1021, v0;
	v8 =	vld.idx.msk [tilespmem:v8+s29+$0x6400], $0xffff;
	[tilespmem:s29+$0xF6A0] =	vst v3;
	v3 =	vmul.f32 $8.000000000e+00, v6  }
0x179: {  	v6 =	vor.u32 $0x1022, v0;
	v9 =	vld.idx.msk [tilespmem:v9+s29+$0x6400], $0xffff;
	[tilespmem:s29+$0xF720] =	vst v2  }
0x17a: {  	v2 =	vmul.f32 $8.000000000e+00, v4;
	v4 =	vor.u32 $0x1023, v0;
	v10 =	vld.idx.msk [tilespmem:v10+s29+$0x6400], $0xffff;
	[tilespmem:s29+$0xF7A0] =	vst v3  }
0x17b: {  	v3 =	vmul.f32 $8.000000000e+00, v5;
	v5 =	vor.u32 $0x1024, v0;
	v11 =	vld.idx.msk [tilespmem:v11+s29+$0x6400], $0xffff  }
0x17c: {  	[tilespmem:s29+$0xF4B0] =	vst v2;
	v2 =	vmul.f32 $8.000000000e+00, v7;
	v7 =	vor.u32 $0x1025, v0  }
0x17d: {  	v12 =	vld.idx.msk [tilespmem:v12+s29+$0x6400], $0xffff;
	[tilespmem:s29+$0xF530] =	vst v3;
	v3 =	vmul.f32 $8.000000000e+00, v8;
	v8 =	vor.u32 $0x1026, v0  }
0x17e: {  	v6 =	vld.idx.msk [tilespmem:v6+s29+$0x6400], $0xffff;
	[tilespmem:s29+$0xF5B0] =	vst v2;
	v2 =	vmul.f32 $8.000000000e+00, v9;
	v9 =	vor.u32 $0x1027, v0  }
0x17f: {  	v4 =	vld.idx.msk [tilespmem:v4+s29+$0x6400], $0xffff;
	[tilespmem:s29+$0xF630] =	vst v3;
	v3 =	vmul.f32 $8.000000000e+00, v10  }
0x180: {  	v10 =	vor.u32 $0x1421, v0;
	v5 =	vld.idx.msk [tilespmem:v5+s29+$0x6400], $0xffff;
	[tilespmem:s29+$0xF6B0] =	vst v2;
	v2 =	vmul.f32 $8.000000000e+00, v11  }
0x181: {  	v11 =	vor.u32 $0x1422, v0;
	v7 =	vld.idx.msk [tilespmem:v7+s29+$0x6400], $0xffff;
	[tilespmem:s29+$0xF730] =	vst v3  }
0x182: {  	v3 =	vmul.f32 $8.000000000e+00, v12;
	v12 =	vor.u32 $0x1423, v0;
	v8 =	vld.idx.msk [tilespmem:v8+s29+$0x6400], $0xffff;
	[tilespmem:s29+$0xF7B0] =	vst v2  }
0x183: {  	v2 =	vmul.f32 $8.000000000e+00, v6;
	v6 =	vor.u32 $0x1424, v0;
	v9 =	vld.idx.msk [tilespmem:v9+s29+$0x6400], $0xffff  }
0x184: {  	[tilespmem:s29+$0xF4C0] =	vst v3;
	v3 =	vmul.f32 $8.000000000e+00, v4;
	v4 =	vor.u32 $0x1425, v0  }
0x185: {  	v10 =	vld.idx.msk [tilespmem:v10+s29+$0x6400], $0xffff;
	[tilespmem:s29+$0xF540] =	vst v2;
	v2 =	vmul.f32 $8.000000000e+00, v5;
	v5 =	vor.u32 $0x1426, v0  }
0x186: {  	v11 =	vld.idx.msk [tilespmem:v11+s29+$0x6400], $0xffff;
	[tilespmem:s29+$0xF5C0] =	vst v3;
	v3 =	vmul.f32 $8.000000000e+00, v7;
	v7 =	vor.u32 $0x1427, v0  }
0x187: {  	v12 =	vld.idx.msk [tilespmem:v12+s29+$0x6400], $0xffff;
	[tilespmem:s29+$0xF640] =	vst v2;
	v2 =	vmul.f32 $8.000000000e+00, v8  }
0x188: {  	v8 =	vor.u32 $0x1821, v0;
	v6 =	vld.idx.msk [tilespmem:v6+s29+$0x6400], $0xffff;
	[tilespmem:s29+$0xF6C0] =	vst v3;
	v3 =	vmul.f32 $8.000000000e+00, v9  }
0x189: {  	v9 =	vor.u32 $0x1822, v0;
	v4 =	vld.idx.msk [tilespmem:v4+s29+$0x6400], $0xffff;
	[tilespmem:s29+$0xF740] =	vst v2  }
0x18a: {  	v2 =	vmul.f32 $8.000000000e+00, v10;
	v10 =	vor.u32 $0x1823, v0;
	v5 =	vld.idx.msk [tilespmem:v5+s29+$0x6400], $0xffff;
	[tilespmem:s29+$0xF7C0] =	vst v3  }
0x18b: {  	v3 =	vmul.f32 $8.000000000e+00, v11;
	v11 =	vor.u32 $0x1824, v0;
	v7 =	vld.idx.msk [tilespmem:v7+s29+$0x6400], $0xffff  }
0x18c: {  	[tilespmem:s29+$0xF4D0] =	vst v2;
	v2 =	vmul.f32 $8.000000000e+00, v12;
	v12 =	vor.u32 $0x1825, v0  }
0x18d: {  	v8 =	vld.idx.msk [tilespmem:v8+s29+$0x6400], $0xffff;
	[tilespmem:s29+$0xF550] =	vst v3;
	v3 =	vmul.f32 $8.000000000e+00, v6;
	v6 =	vor.u32 $0x1826, v0  }
0x18e: {  	v9 =	vld.idx.msk [tilespmem:v9+s29+$0x6400], $0xffff;
	[tilespmem:s29+$0xF5D0] =	vst v2;
	v2 =	vmul.f32 $8.000000000e+00, v4;
	v4 =	vor.u32 $0x1827, v0  }
0x18f: {  	v10 =	vld.idx.msk [tilespmem:v10+s29+$0x6400], $0xffff;
	[tilespmem:s29+$0xF650] =	vst v3;
	v3 =	vmul.f32 $8.000000000e+00, v5  }
0x190: {  	v5 =	vor.u32 $0x1C21, v0;
	v11 =	vld.idx.msk [tilespmem:v11+s29+$0x6400], $0xffff;
	[tilespmem:s29+$0xF6D0] =	vst v2;
	v2 =	vmul.f32 $8.000000000e+00, v7  }
0x191: {  	v7 =	vor.u32 $0x1C22, v0;
	v12 =	vld.idx.msk [tilespmem:v12+s29+$0x6400], $0xffff;
	[tilespmem:s29+$0xF750] =	vst v3  }
0x192: {  	v3 =	vmul.f32 $8.000000000e+00, v8;
	v8 =	vor.u32 $0x1C23, v0;
	v6 =	vld.idx.msk [tilespmem:v6+s29+$0x6400], $0xffff;
	[tilespmem:s29+$0xF7D0] =	vst v2  }
0x193: {  	v2 =	vmul.f32 $8.000000000e+00, v9;
	v9 =	vor.u32 $0x1C24, v0;
	v4 =	vld.idx.msk [tilespmem:v4+s29+$0x6400], $0xffff  }
0x194: {  	[tilespmem:s29+$0xF4E0] =	vst v3;
	v3 =	vmul.f32 $8.000000000e+00, v10;
	v10 =	vor.u32 $0x1C25, v0  }
0x195: {  	v5 =	vld.idx.msk [tilespmem:v5+s29+$0x6400], $0xffff;
	[tilespmem:s29+$0xF560] =	vst v2;
	v2 =	vmul.f32 $8.000000000e+00, v11;
	v11 =	vor.u32 $0x1C26, v0  }
0x196: {  	v7 =	vld.idx.msk [tilespmem:v7+s29+$0x6400], $0xffff;
	[tilespmem:s29+$0xF5E0] =	vst v3;
	v3 =	vmul.f32 $8.000000000e+00, v12;
	v12 =	vor.u32 $0x1C27, v0  }
0x197: {  	v8 =	vld.idx.msk [tilespmem:v8+s29+$0x6400], $0xffff;
	[tilespmem:s29+$0xF660] =	vst v2;
	v2 =	vmul.f32 $8.000000000e+00, v6;
	v6 =	vor.u32 $0x28, v0  }
0x198: {  	v9 =	vld.idx.msk [tilespmem:v9+s29+$0x6400], $0xffff;
	[tilespmem:s29+$0xF6E0] =	vst v3;
	v3 =	vmul.f32 $8.000000000e+00, v4;
	v4 =	vor.u32 $0x29, v0  }
0x199: {  	v1 =	vmul.f32 $8.000000000e+00, v1;
	v10 =	vld.idx.msk [tilespmem:v10+s29+$0x6400], $0xffff;
	[tilespmem:s29+$0xF760] =	vst v2;
	v2 =	vor.u32 $0x2A, v0  }
0x19a: {  	v5 =	vmul.f32 $8.000000000e+00, v5;
	v11 =	vld.idx.msk [tilespmem:v11+s29+$0x6400], $0xffff;
	[tilespmem:s29+$0xF7E0] =	vst v3;
	v3 =	vor.u32 $0x2B, v0  }
0x19b: {  	[tilespmem:s29+$0xF470] =	vst v1;
	v1 =	vmul.f32 $8.000000000e+00, v7;
	v7 =	vld.idx.msk [tilespmem:v12+s29+$0x6400], $0xffff;
	v12 =	vor.u32 $0x2C, v0  }
0x19c: {  	[tilespmem:s29+$0xF4F0] =	vst v5;
	v5 =	vmul.f32 $8.000000000e+00, v8;
	v6 =	vld.idx.msk [tilespmem:v6+s29+$0x6400], $0xffff;
	v8 =	vor.u32 $0x2D, v0  }
0x19d: {  	[tilespmem:s29+$0xF570] =	vst v1;
	v1 =	vmul.f32 $8.000000000e+00, v9;
	v4 =	vld.idx.msk [tilespmem:v4+s29+$0x6400], $0xffff;
	v9 =	vor.u32 $0x2E, v0  }
0x19e: {  	[tilespmem:s29+$0xF5F0] =	vst v5;
	v5 =	vmul.f32 $8.000000000e+00, v10;
	v2 =	vld.idx.msk [tilespmem:v2+s29+$0x6400], $0xffff;
	v10 =	vor.u32 $0x2F, v0  }
0x19f: {  	[tilespmem:s29+$0xF670] =	vst v1;
	v1 =	vmul.f32 $8.000000000e+00, v11;
	v11 =	vor.u32 $0x428, v0;
	v3 =	vld.idx.msk [tilespmem:v3+s29+$0x6400], $0xffff  }
0x1a0: {  	[tilespmem:s29+$0xF6F0] =	vst v5;
	v5 =	vmul.f32 $8.000000000e+00, v7;
	v7 =	vor.u32 $0x429, v0;
	v12 =	vld.idx.msk [tilespmem:v12+s29+$0x6400], $0xffff  }
0x1a1: {  	[tilespmem:s29+$0xF770] =	vst v1;
	v1 =	vmul.f32 $8.000000000e+00, v6;
	v6 =	vor.u32 $0x42A, v0;
	v8 =	vld.idx.msk [tilespmem:v8+s29+$0x6400], $0xffff  }
0x1a2: {  	[tilespmem:s29+$0xF7F0] =	vst v5;
	v4 =	vmul.f32 $8.000000000e+00, v4;
	v5 =	vor.u32 $0x42B, v0;
	v9 =	vld.idx.msk [tilespmem:v9+s29+$0x6400], $0xffff  }
0x1a3: {  	[tilespmem:s29+$0xF800] =	vst v1;
	v1 =	vmul.f32 $8.000000000e+00, v2;
	v2 =	vor.u32 $0x42C, v0;
	v10 =	vld.idx.msk [tilespmem:v10+s29+$0x6400], $0xffff  }
0x1a4: {  	v11 =	vld.idx.msk [tilespmem:v11+s29+$0x6400], $0xffff;
	[tilespmem:s29+$0xF880] =	vst v4;
	v3 =	vmul.f32 $8.000000000e+00, v3;
	v4 =	vor.u32 $0x42D, v0  }
0x1a5: {  	v7 =	vld.idx.msk [tilespmem:v7+s29+$0x6400], $0xffff;
	[tilespmem:s29+$0xF900] =	vst v1;
	v1 =	vmul.f32 $8.000000000e+00, v12;
	v12 =	vor.u32 $0x42E, v0  }
0x1a6: {  	v6 =	vld.idx.msk [tilespmem:v6+s29+$0x6400], $0xffff;
	[tilespmem:s29+$0xF980] =	vst v3;
	v3 =	vmul.f32 $8.000000000e+00, v8;
	v8 =	vor.u32 $0x42F, v0  }
0x1a7: {  	[tilespmem:s29+$0xFA00] =	vst v1;
	v1 =	vor.u32 $0x828, v0;
	v5 =	vld.idx.msk [tilespmem:v5+s29+$0x6400], $0xffff;
	v9 =	vmul.f32 $8.000000000e+00, v9  }
0x1a8: {  	[tilespmem:s29+$0xFA80] =	vst v3;
	v3 =	vor.u32 $0x829, v0;
	v2 =	vld.idx.msk [tilespmem:v2+s29+$0x6400], $0xffff;
	v10 =	vmul.f32 $8.000000000e+00, v10  }
0x1a9: {  	v11 =	vmul.f32 $8.000000000e+00, v11;
	[tilespmem:s29+$0xFB00] =	vst v9;
	v9 =	vor.u32 $0x82A, v0;
	v4 =	vld.idx.msk [tilespmem:v4+s29+$0x6400], $0xffff  }
0x1aa: {  	v7 =	vmul.f32 $8.000000000e+00, v7;
	[tilespmem:s29+$0xFB80] =	vst v10;
	v10 =	vor.u32 $0x82B, v0;
	v12 =	vld.idx.msk [tilespmem:v12+s29+$0x6400], $0xffff  }
0x1ab: {  	[tilespmem:s29+$0xF810] =	vst v11;
	v6 =	vmul.f32 $8.000000000e+00, v6;
	v11 =	vor.u32 $0x82C, v0;
	v8 =	vld.idx.msk [tilespmem:v8+s29+$0x6400], $0xffff  }
0x1ac: {  	v1 =	vld.idx.msk [tilespmem:v1+s29+$0x6400], $0xffff;
	[tilespmem:s29+$0xF890] =	vst v7;
	v5 =	vmul.f32 $8.000000000e+00, v5;
	v7 =	vor.u32 $0x82D, v0  }
0x1ad: {  	v3 =	vld.idx.msk [tilespmem:v3+s29+$0x6400], $0xffff;
	[tilespmem:s29+$0xF910] =	vst v6;
	v2 =	vmul.f32 $8.000000000e+00, v2;
	v6 =	vor.u32 $0x82E, v0  }
0x1ae: {  	v9 =	vld.idx.msk [tilespmem:v9+s29+$0x6400], $0xffff;
	[tilespmem:s29+$0xF990] =	vst v5;
	v4 =	vmul.f32 $8.000000000e+00, v4;
	v5 =	vor.u32 $0x82F, v0  }
0x1af: {  	[tilespmem:s29+$0xFA10] =	vst v2;
	v2 =	vor.u32 $0xC28, v0;
	v10 =	vld.idx.msk [tilespmem:v10+s29+$0x6400], $0xffff;
	v12 =	vmul.f32 $8.000000000e+00, v12  }
0x1b0: {  	[tilespmem:s29+$0xFA90] =	vst v4;
	v4 =	vor.u32 $0xC29, v0;
	v11 =	vld.idx.msk [tilespmem:v11+s29+$0x6400], $0xffff;
	v8 =	vmul.f32 $8.000000000e+00, v8  }
0x1b1: {  	v1 =	vmul.f32 $8.000000000e+00, v1;
	[tilespmem:s29+$0xFB10] =	vst v12;
	v12 =	vor.u32 $0xC2A, v0;
	v7 =	vld.idx.msk [tilespmem:v7+s29+$0x6400], $0xffff  }
0x1b2: {  	v3 =	vmul.f32 $8.000000000e+00, v3;
	[tilespmem:s29+$0xFB90] =	vst v8;
	v8 =	vor.u32 $0xC2B, v0;
	v6 =	vld.idx.msk [tilespmem:v6+s29+$0x6400], $0xffff  }
0x1b3: {  	[tilespmem:s29+$0xF820] =	vst v1;
	v1 =	vmul.f32 $8.000000000e+00, v9;
	v9 =	vor.u32 $0xC2C, v0;
	v5 =	vld.idx.msk [tilespmem:v5+s29+$0x6400], $0xffff  }
0x1b4: {  	v2 =	vld.idx.msk [tilespmem:v2+s29+$0x6400], $0xffff;
	[tilespmem:s29+$0xF8A0] =	vst v3;
	v3 =	vmul.f32 $8.000000000e+00, v10;
	v10 =	vor.u32 $0xC2D, v0  }
0x1b5: {  	v4 =	vld.idx.msk [tilespmem:v4+s29+$0x6400], $0xffff;
	[tilespmem:s29+$0xF920] =	vst v1;
	v1 =	vmul.f32 $8.000000000e+00, v11;
	v11 =	vor.u32 $0xC2E, v0  }
0x1b6: {  	v12 =	vld.idx.msk [tilespmem:v12+s29+$0x6400], $0xffff;
	[tilespmem:s29+$0xF9A0] =	vst v3;
	v3 =	vmul.f32 $8.000000000e+00, v7;
	v7 =	vor.u32 $0xC2F, v0  }
0x1b7: {  	[tilespmem:s29+$0xFA20] =	vst v1;
	v1 =	vor.u32 $0x1028, v0;
	v8 =	vld.idx.msk [tilespmem:v8+s29+$0x6400], $0xffff;
	v6 =	vmul.f32 $8.000000000e+00, v6  }
0x1b8: {  	[tilespmem:s29+$0xFAA0] =	vst v3;
	v3 =	vor.u32 $0x1029, v0;
	v9 =	vld.idx.msk [tilespmem:v9+s29+$0x6400], $0xffff;
	v5 =	vmul.f32 $8.000000000e+00, v5  }
0x1b9: {  	v2 =	vmul.f32 $8.000000000e+00, v2;
	[tilespmem:s29+$0xFB20] =	vst v6;
	v6 =	vor.u32 $0x102A, v0;
	v10 =	vld.idx.msk [tilespmem:v10+s29+$0x6400], $0xffff  }
0x1ba: {  	v4 =	vmul.f32 $8.000000000e+00, v4;
	[tilespmem:s29+$0xFBA0] =	vst v5;
	v5 =	vor.u32 $0x102B, v0;
	v11 =	vld.idx.msk [tilespmem:v11+s29+$0x6400], $0xffff  }
0x1bb: {  	[tilespmem:s29+$0xF830] =	vst v2;
	v2 =	vmul.f32 $8.000000000e+00, v12;
	v12 =	vor.u32 $0x102C, v0;
	v7 =	vld.idx.msk [tilespmem:v7+s29+$0x6400], $0xffff  }
0x1bc: {  	v1 =	vld.idx.msk [tilespmem:v1+s29+$0x6400], $0xffff;
	[tilespmem:s29+$0xF8B0] =	vst v4;
	v4 =	vmul.f32 $8.000000000e+00, v8;
	v8 =	vor.u32 $0x102D, v0  }
0x1bd: {  	v3 =	vld.idx.msk [tilespmem:v3+s29+$0x6400], $0xffff;
	[tilespmem:s29+$0xF930] =	vst v2;
	v2 =	vmul.f32 $8.000000000e+00, v9;
	v9 =	vor.u32 $0x102E, v0  }
0x1be: {  	v6 =	vld.idx.msk [tilespmem:v6+s29+$0x6400], $0xffff;
	[tilespmem:s29+$0xF9B0] =	vst v4;
	v4 =	vmul.f32 $8.000000000e+00, v10;
	v10 =	vor.u32 $0x102F, v0  }
0x1bf: {  	[tilespmem:s29+$0xFA30] =	vst v2;
	v2 =	vor.u32 $0x1428, v0;
	v5 =	vld.idx.msk [tilespmem:v5+s29+$0x6400], $0xffff;
	v11 =	vmul.f32 $8.000000000e+00, v11  }
0x1c0: {  	[tilespmem:s29+$0xFAB0] =	vst v4;
	v4 =	vor.u32 $0x1429, v0;
	v12 =	vld.idx.msk [tilespmem:v12+s29+$0x6400], $0xffff;
	v7 =	vmul.f32 $8.000000000e+00, v7  }
0x1c1: {  	v1 =	vmul.f32 $8.000000000e+00, v1;
	[tilespmem:s29+$0xFB30] =	vst v11;
	v11 =	vor.u32 $0x142A, v0;
	v8 =	vld.idx.msk [tilespmem:v8+s29+$0x6400], $0xffff  }
0x1c2: {  	v3 =	vmul.f32 $8.000000000e+00, v3;
	[tilespmem:s29+$0xFBB0] =	vst v7;
	v7 =	vor.u32 $0x142B, v0;
	v9 =	vld.idx.msk [tilespmem:v9+s29+$0x6400], $0xffff  }
0x1c3: {  	[tilespmem:s29+$0xF840] =	vst v1;
	v1 =	vmul.f32 $8.000000000e+00, v6;
	v6 =	vor.u32 $0x142C, v0;
	v10 =	vld.idx.msk [tilespmem:v10+s29+$0x6400], $0xffff  }
0x1c4: {  	v2 =	vld.idx.msk [tilespmem:v2+s29+$0x6400], $0xffff;
	[tilespmem:s29+$0xF8C0] =	vst v3;
	v3 =	vmul.f32 $8.000000000e+00, v5;
	v5 =	vor.u32 $0x142D, v0  }
0x1c5: {  	v4 =	vld.idx.msk [tilespmem:v4+s29+$0x6400], $0xffff;
	[tilespmem:s29+$0xF940] =	vst v1;
	v1 =	vmul.f32 $8.000000000e+00, v12;
	v12 =	vor.u32 $0x142E, v0  }
0x1c6: {  	v11 =	vld.idx.msk [tilespmem:v11+s29+$0x6400], $0xffff;
	[tilespmem:s29+$0xF9C0] =	vst v3;
	v3 =	vmul.f32 $8.000000000e+00, v8;
	v8 =	vor.u32 $0x142F, v0  }
0x1c7: {  	[tilespmem:s29+$0xFA40] =	vst v1;
	v1 =	vor.u32 $0x1828, v0;
	v7 =	vld.idx.msk [tilespmem:v7+s29+$0x6400], $0xffff;
	v9 =	vmul.f32 $8.000000000e+00, v9  }
0x1c8: {  	[tilespmem:s29+$0xFAC0] =	vst v3;
	v3 =	vor.u32 $0x1829, v0;
	v6 =	vld.idx.msk [tilespmem:v6+s29+$0x6400], $0xffff;
	v10 =	vmul.f32 $8.000000000e+00, v10  }
0x1c9: {  	v2 =	vmul.f32 $8.000000000e+00, v2;
	[tilespmem:s29+$0xFB40] =	vst v9;
	v9 =	vor.u32 $0x182A, v0;
	v5 =	vld.idx.msk [tilespmem:v5+s29+$0x6400], $0xffff  }
0x1ca: {  	v4 =	vmul.f32 $8.000000000e+00, v4;
	[tilespmem:s29+$0xFBC0] =	vst v10;
	v10 =	vor.u32 $0x182B, v0;
	v12 =	vld.idx.msk [tilespmem:v12+s29+$0x6400], $0xffff  }
0x1cb: {  	[tilespmem:s29+$0xF850] =	vst v2;
	v2 =	vmul.f32 $8.000000000e+00, v11;
	v11 =	vor.u32 $0x182C, v0;
	v8 =	vld.idx.msk [tilespmem:v8+s29+$0x6400], $0xffff  }
0x1cc: {  	v1 =	vld.idx.msk [tilespmem:v1+s29+$0x6400], $0xffff;
	[tilespmem:s29+$0xF8D0] =	vst v4;
	v4 =	vmul.f32 $8.000000000e+00, v7;
	v7 =	vor.u32 $0x182D, v0  }
0x1cd: {  	v3 =	vld.idx.msk [tilespmem:v3+s29+$0x6400], $0xffff;
	[tilespmem:s29+$0xF950] =	vst v2;
	v2 =	vmul.f32 $8.000000000e+00, v6;
	v6 =	vor.u32 $0x182E, v0  }
0x1ce: {  	v9 =	vld.idx.msk [tilespmem:v9+s29+$0x6400], $0xffff;
	[tilespmem:s29+$0xF9D0] =	vst v4;
	v4 =	vmul.f32 $8.000000000e+00, v5;
	v5 =	vor.u32 $0x182F, v0  }
0x1cf: {  	[tilespmem:s29+$0xFA50] =	vst v2;
	v2 =	vor.u32 $0x1C28, v0;
	v10 =	vld.idx.msk [tilespmem:v10+s29+$0x6400], $0xffff;
	v12 =	vmul.f32 $8.000000000e+00, v12  }
0x1d0: {  	[tilespmem:s29+$0xFAD0] =	vst v4;
	v4 =	vor.u32 $0x1C29, v0;
	v11 =	vld.idx.msk [tilespmem:v11+s29+$0x6400], $0xffff;
	v8 =	vmul.f32 $8.000000000e+00, v8  }
0x1d1: {  	v1 =	vmul.f32 $8.000000000e+00, v1;
	[tilespmem:s29+$0xFB50] =	vst v12;
	v12 =	vor.u32 $0x1C2A, v0;
	v7 =	vld.idx.msk [tilespmem:v7+s29+$0x6400], $0xffff  }
0x1d2: {  	v3 =	vmul.f32 $8.000000000e+00, v3;
	[tilespmem:s29+$0xFBD0] =	vst v8;
	v8 =	vor.u32 $0x1C2B, v0;
	v6 =	vld.idx.msk [tilespmem:v6+s29+$0x6400], $0xffff  }
0x1d3: {  	[tilespmem:s29+$0xF860] =	vst v1;
	v1 =	vmul.f32 $8.000000000e+00, v9;
	v9 =	vor.u32 $0x1C2C, v0;
	v5 =	vld.idx.msk [tilespmem:v5+s29+$0x6400], $0xffff  }
0x1d4: {  	v2 =	vld.idx.msk [tilespmem:v2+s29+$0x6400], $0xffff;
	[tilespmem:s29+$0xF8E0] =	vst v3;
	v3 =	vmul.f32 $8.000000000e+00, v10;
	v10 =	vor.u32 $0x1C2D, v0  }
0x1d5: {  	v4 =	vld.idx.msk [tilespmem:v4+s29+$0x6400], $0xffff;
	[tilespmem:s29+$0xF960] =	vst v1;
	v1 =	vmul.f32 $8.000000000e+00, v11;
	v11 =	vor.u32 $0x1C2E, v0  }
0x1d6: {  	v12 =	vld.idx.msk [tilespmem:v12+s29+$0x6400], $0xffff;
	[tilespmem:s29+$0xF9E0] =	vst v3;
	v3 =	vmul.f32 $8.000000000e+00, v7;
	v7 =	vor.u32 $0x1C2F, v0  }
0x1d7: {  	v8 =	vld.idx.msk [tilespmem:v8+s29+$0x6400], $0xffff;
	[tilespmem:s29+$0xFA60] =	vst v1;
	v1 =	vmul.f32 $8.000000000e+00, v6;
	v6 =	vor.u32 $0x30, v0  }
0x1d8: {  	v9 =	vld.idx.msk [tilespmem:v9+s29+$0x6400], $0xffff;
	[tilespmem:s29+$0xFAE0] =	vst v3;
	v3 =	vmul.f32 $8.000000000e+00, v5;
	v5 =	vor.u32 $0x31, v0  }
0x1d9: {  	v2 =	vmul.f32 $8.000000000e+00, v2;
	v10 =	vld.idx.msk [tilespmem:v10+s29+$0x6400], $0xffff;
	[tilespmem:s29+$0xFB60] =	vst v1;
	v1 =	vor.u32 $0x32, v0  }
0x1da: {  	v4 =	vmul.f32 $8.000000000e+00, v4;
	v11 =	vld.idx.msk [tilespmem:v11+s29+$0x6400], $0xffff;
	[tilespmem:s29+$0xFBE0] =	vst v3;
	v3 =	vor.u32 $0x33, v0  }
0x1db: {  	[tilespmem:s29+$0xF870] =	vst v2;
	v2 =	vmul.f32 $8.000000000e+00, v12;
	v7 =	vld.idx.msk [tilespmem:v7+s29+$0x6400], $0xffff;
	v12 =	vor.u32 $0x34, v0  }
0x1dc: {  	[tilespmem:s29+$0xF8F0] =	vst v4;
	v4 =	vmul.f32 $8.000000000e+00, v8;
	v6 =	vld.idx.msk [tilespmem:v6+s29+$0x6400], $0xffff;
	v8 =	vor.u32 $0x35, v0  }
0x1dd: {  	[tilespmem:s29+$0xF970] =	vst v2;
	v2 =	vmul.f32 $8.000000000e+00, v9;
	v5 =	vld.idx.msk [tilespmem:v5+s29+$0x6400], $0xffff;
	v9 =	vor.u32 $0x36, v0  }
0x1de: {  	[tilespmem:s29+$0xF9F0] =	vst v4;
	v4 =	vmul.f32 $8.000000000e+00, v10;
	v1 =	vld.idx.msk [tilespmem:v1+s29+$0x6400], $0xffff;
	v10 =	vor.u32 $0x37, v0  }
0x1df: {  	[tilespmem:s29+$0xFA70] =	vst v2;
	v2 =	vmul.f32 $8.000000000e+00, v11;
	v11 =	vor.u32 $0x430, v0;
	v3 =	vld.idx.msk [tilespmem:v3+s29+$0x6400], $0xffff  }
0x1e0: {  	[tilespmem:s29+$0xFAF0] =	vst v4;
	v4 =	vmul.f32 $8.000000000e+00, v7;
	v7 =	vor.u32 $0x431, v0;
	v12 =	vld.idx.msk [tilespmem:v12+s29+$0x6400], $0xffff  }
0x1e1: {  	[tilespmem:s29+$0xFB70] =	vst v2;
	v2 =	vmul.f32 $8.000000000e+00, v6;
	v6 =	vor.u32 $0x432, v0;
	v8 =	vld.idx.msk [tilespmem:v8+s29+$0x6400], $0xffff  }
0x1e2: {  	[tilespmem:s29+$0xFBF0] =	vst v4;
	v4 =	vmul.f32 $8.000000000e+00, v5;
	v5 =	vor.u32 $0x433, v0;
	v9 =	vld.idx.msk [tilespmem:v9+s29+$0x6400], $0xffff  }
0x1e3: {  	[tilespmem:s29+$0xFC00] =	vst v2;
	v1 =	vmul.f32 $8.000000000e+00, v1;
	v2 =	vor.u32 $0x434, v0;
	v10 =	vld.idx.msk [tilespmem:v10+s29+$0x6400], $0xffff  }
0x1e4: {  	v11 =	vld.idx.msk [tilespmem:v11+s29+$0x6400], $0xffff;
	[tilespmem:s29+$0xFC80] =	vst v4;
	v3 =	vmul.f32 $8.000000000e+00, v3;
	v4 =	vor.u32 $0x435, v0  }
0x1e5: {  	v7 =	vld.idx.msk [tilespmem:v7+s29+$0x6400], $0xffff;
	[tilespmem:s29+$0xFD00] =	vst v1;
	v1 =	vmul.f32 $8.000000000e+00, v12;
	v12 =	vor.u32 $0x436, v0  }
0x1e6: {  	v6 =	vld.idx.msk [tilespmem:v6+s29+$0x6400], $0xffff;
	[tilespmem:s29+$0xFD80] =	vst v3;
	v3 =	vmul.f32 $8.000000000e+00, v8;
	v8 =	vor.u32 $0x437, v0  }
0x1e7: {  	[tilespmem:s29+$0xFE00] =	vst v1;
	v1 =	vor.u32 $0x830, v0;
	v5 =	vld.idx.msk [tilespmem:v5+s29+$0x6400], $0xffff;
	v9 =	vmul.f32 $8.000000000e+00, v9  }
0x1e8: {  	[tilespmem:s29+$0xFE80] =	vst v3;
	v3 =	vor.u32 $0x831, v0;
	v2 =	vld.idx.msk [tilespmem:v2+s29+$0x6400], $0xffff;
	v10 =	vmul.f32 $8.000000000e+00, v10  }
0x1e9: {  	v11 =	vmul.f32 $8.000000000e+00, v11;
	[tilespmem:s29+$0xFF00] =	vst v9;
	v9 =	vor.u32 $0x832, v0;
	v4 =	vld.idx.msk [tilespmem:v4+s29+$0x6400], $0xffff  }
0x1ea: {  	v7 =	vmul.f32 $8.000000000e+00, v7;
	[tilespmem:s29+$0xFF80] =	vst v10;
	v10 =	vor.u32 $0x833, v0;
	v12 =	vld.idx.msk [tilespmem:v12+s29+$0x6400], $0xffff  }
0x1eb: {  	[tilespmem:s29+$0xFC10] =	vst v11;
	v6 =	vmul.f32 $8.000000000e+00, v6;
	v11 =	vor.u32 $0x834, v0;
	v8 =	vld.idx.msk [tilespmem:v8+s29+$0x6400], $0xffff  }
0x1ec: {  	v1 =	vld.idx.msk [tilespmem:v1+s29+$0x6400], $0xffff;
	[tilespmem:s29+$0xFC90] =	vst v7;
	v5 =	vmul.f32 $8.000000000e+00, v5;
	v7 =	vor.u32 $0x835, v0  }
0x1ed: {  	v3 =	vld.idx.msk [tilespmem:v3+s29+$0x6400], $0xffff;
	[tilespmem:s29+$0xFD10] =	vst v6;
	v2 =	vmul.f32 $8.000000000e+00, v2;
	v6 =	vor.u32 $0x836, v0  }
0x1ee: {  	v9 =	vld.idx.msk [tilespmem:v9+s29+$0x6400], $0xffff;
	[tilespmem:s29+$0xFD90] =	vst v5;
	v4 =	vmul.f32 $8.000000000e+00, v4;
	v5 =	vor.u32 $0x837, v0  }
0x1ef: {  	[tilespmem:s29+$0xFE10] =	vst v2;
	v2 =	vor.u32 $0xC30, v0;
	v10 =	vld.idx.msk [tilespmem:v10+s29+$0x6400], $0xffff;
	v12 =	vmul.f32 $8.000000000e+00, v12  }
0x1f0: {  	[tilespmem:s29+$0xFE90] =	vst v4;
	v4 =	vor.u32 $0xC31, v0;
	v11 =	vld.idx.msk [tilespmem:v11+s29+$0x6400], $0xffff;
	v8 =	vmul.f32 $8.000000000e+00, v8  }
0x1f1: {  	v1 =	vmul.f32 $8.000000000e+00, v1;
	[tilespmem:s29+$0xFF10] =	vst v12;
	v12 =	vor.u32 $0xC32, v0;
	v7 =	vld.idx.msk [tilespmem:v7+s29+$0x6400], $0xffff  }
0x1f2: {  	v3 =	vmul.f32 $8.000000000e+00, v3;
	[tilespmem:s29+$0xFF90] =	vst v8;
	v8 =	vor.u32 $0xC33, v0;
	v6 =	vld.idx.msk [tilespmem:v6+s29+$0x6400], $0xffff  }
0x1f3: {  	[tilespmem:s29+$0xFC20] =	vst v1;
	v1 =	vmul.f32 $8.000000000e+00, v9;
	v9 =	vor.u32 $0xC34, v0;
	v5 =	vld.idx.msk [tilespmem:v5+s29+$0x6400], $0xffff  }
0x1f4: {  	v2 =	vld.idx.msk [tilespmem:v2+s29+$0x6400], $0xffff;
	[tilespmem:s29+$0xFCA0] =	vst v3;
	v3 =	vmul.f32 $8.000000000e+00, v10;
	v10 =	vor.u32 $0xC35, v0  }
0x1f5: {  	v4 =	vld.idx.msk [tilespmem:v4+s29+$0x6400], $0xffff;
	[tilespmem:s29+$0xFD20] =	vst v1;
	v1 =	vmul.f32 $8.000000000e+00, v11;
	v11 =	vor.u32 $0xC36, v0  }
0x1f6: {  	v12 =	vld.idx.msk [tilespmem:v12+s29+$0x6400], $0xffff;
	[tilespmem:s29+$0xFDA0] =	vst v3;
	v3 =	vmul.f32 $8.000000000e+00, v7;
	v7 =	vor.u32 $0xC37, v0  }
0x1f7: {  	[tilespmem:s29+$0xFE20] =	vst v1;
	v1 =	vor.u32 $0x1030, v0;
	v8 =	vld.idx.msk [tilespmem:v8+s29+$0x6400], $0xffff;
	v6 =	vmul.f32 $8.000000000e+00, v6  }
0x1f8: {  	[tilespmem:s29+$0xFEA0] =	vst v3;
	v3 =	vor.u32 $0x1031, v0;
	v9 =	vld.idx.msk [tilespmem:v9+s29+$0x6400], $0xffff;
	v5 =	vmul.f32 $8.000000000e+00, v5  }
0x1f9: {  	v2 =	vmul.f32 $8.000000000e+00, v2;
	[tilespmem:s29+$0xFF20] =	vst v6;
	v6 =	vor.u32 $0x1032, v0;
	v10 =	vld.idx.msk [tilespmem:v10+s29+$0x6400], $0xffff  }
0x1fa: {  	v4 =	vmul.f32 $8.000000000e+00, v4;
	[tilespmem:s29+$0xFFA0] =	vst v5;
	v5 =	vor.u32 $0x1033, v0;
	v11 =	vld.idx.msk [tilespmem:v11+s29+$0x6400], $0xffff  }
0x1fb: {  	[tilespmem:s29+$0xFC30] =	vst v2;
	v2 =	vmul.f32 $8.000000000e+00, v12;
	v12 =	vor.u32 $0x1034, v0;
	v7 =	vld.idx.msk [tilespmem:v7+s29+$0x6400], $0xffff  }
0x1fc: {  	v1 =	vld.idx.msk [tilespmem:v1+s29+$0x6400], $0xffff;
	[tilespmem:s29+$0xFCB0] =	vst v4;
	v4 =	vmul.f32 $8.000000000e+00, v8;
	v8 =	vor.u32 $0x1035, v0  }
0x1fd: {  	v3 =	vld.idx.msk [tilespmem:v3+s29+$0x6400], $0xffff;
	[tilespmem:s29+$0xFD30] =	vst v2;
	v2 =	vmul.f32 $8.000000000e+00, v9;
	v9 =	vor.u32 $0x1036, v0  }
0x1fe: {  	v6 =	vld.idx.msk [tilespmem:v6+s29+$0x6400], $0xffff;
	[tilespmem:s29+$0xFDB0] =	vst v4;
	v4 =	vmul.f32 $8.000000000e+00, v10;
	v10 =	vor.u32 $0x1037, v0  }
0x1ff: {  	[tilespmem:s29+$0xFE30] =	vst v2;
	v2 =	vor.u32 $0x1430, v0;
	v5 =	vld.idx.msk [tilespmem:v5+s29+$0x6400], $0xffff;
	v11 =	vmul.f32 $8.000000000e+00, v11  }
0x200: {  	[tilespmem:s29+$0xFEB0] =	vst v4;
	v4 =	vor.u32 $0x1431, v0;
	v12 =	vld.idx.msk [tilespmem:v12+s29+$0x6400], $0xffff;
	v7 =	vmul.f32 $8.000000000e+00, v7  }
0x201: {  	v1 =	vmul.f32 $8.000000000e+00, v1;
	[tilespmem:s29+$0xFF30] =	vst v11;
	v11 =	vor.u32 $0x1432, v0;
	v8 =	vld.idx.msk [tilespmem:v8+s29+$0x6400], $0xffff  }
0x202: {  	v3 =	vmul.f32 $8.000000000e+00, v3;
	[tilespmem:s29+$0xFFB0] =	vst v7;
	v7 =	vor.u32 $0x1433, v0;
	v9 =	vld.idx.msk [tilespmem:v9+s29+$0x6400], $0xffff  }
0x203: {  	[tilespmem:s29+$0xFC40] =	vst v1;
	v1 =	vmul.f32 $8.000000000e+00, v6;
	v6 =	vor.u32 $0x1434, v0;
	v10 =	vld.idx.msk [tilespmem:v10+s29+$0x6400], $0xffff  }
0x204: {  	v2 =	vld.idx.msk [tilespmem:v2+s29+$0x6400], $0xffff;
	[tilespmem:s29+$0xFCC0] =	vst v3;
	v3 =	vmul.f32 $8.000000000e+00, v5;
	v5 =	vor.u32 $0x1435, v0  }
0x205: {  	v4 =	vld.idx.msk [tilespmem:v4+s29+$0x6400], $0xffff;
	[tilespmem:s29+$0xFD40] =	vst v1;
	v1 =	vmul.f32 $8.000000000e+00, v12;
	v12 =	vor.u32 $0x1436, v0  }
0x206: {  	v11 =	vld.idx.msk [tilespmem:v11+s29+$0x6400], $0xffff;
	[tilespmem:s29+$0xFDC0] =	vst v3;
	v3 =	vmul.f32 $8.000000000e+00, v8;
	v8 =	vor.u32 $0x1437, v0  }
0x207: {  	[tilespmem:s29+$0xFE40] =	vst v1;
	v1 =	vor.u32 $0x1830, v0;
	v7 =	vld.idx.msk [tilespmem:v7+s29+$0x6400], $0xffff;
	v9 =	vmul.f32 $8.000000000e+00, v9  }
0x208: {  	[tilespmem:s29+$0xFEC0] =	vst v3;
	v3 =	vor.u32 $0x1831, v0;
	v6 =	vld.idx.msk [tilespmem:v6+s29+$0x6400], $0xffff;
	v10 =	vmul.f32 $8.000000000e+00, v10  }
0x209: {  	v2 =	vmul.f32 $8.000000000e+00, v2;
	[tilespmem:s29+$0xFF40] =	vst v9;
	v9 =	vor.u32 $0x1832, v0;
	v5 =	vld.idx.msk [tilespmem:v5+s29+$0x6400], $0xffff  }
0x20a: {  	v4 =	vmul.f32 $8.000000000e+00, v4;
	[tilespmem:s29+$0xFFC0] =	vst v10;
	v10 =	vor.u32 $0x1833, v0;
	v12 =	vld.idx.msk [tilespmem:v12+s29+$0x6400], $0xffff  }
0x20b: {  	[tilespmem:s29+$0xFC50] =	vst v2;
	v2 =	vmul.f32 $8.000000000e+00, v11;
	v11 =	vor.u32 $0x1834, v0;
	v8 =	vld.idx.msk [tilespmem:v8+s29+$0x6400], $0xffff  }
0x20c: {  	v1 =	vld.idx.msk [tilespmem:v1+s29+$0x6400], $0xffff;
	[tilespmem:s29+$0xFCD0] =	vst v4;
	v4 =	vmul.f32 $8.000000000e+00, v7;
	v7 =	vor.u32 $0x1835, v0  }
0x20d: {  	v3 =	vld.idx.msk [tilespmem:v3+s29+$0x6400], $0xffff;
	[tilespmem:s29+$0xFD50] =	vst v2;
	v2 =	vmul.f32 $8.000000000e+00, v6;
	v6 =	vor.u32 $0x1836, v0  }
0x20e: {  	v9 =	vld.idx.msk [tilespmem:v9+s29+$0x6400], $0xffff;
	[tilespmem:s29+$0xFDD0] =	vst v4;
	v4 =	vmul.f32 $8.000000000e+00, v5;
	v5 =	vor.u32 $0x1837, v0  }
0x20f: {  	[tilespmem:s29+$0xFE50] =	vst v2;
	v2 =	vor.u32 $0x1C30, v0;
	v10 =	vld.idx.msk [tilespmem:v10+s29+$0x6400], $0xffff;
	v12 =	vmul.f32 $8.000000000e+00, v12  }
0x210: {  	[tilespmem:s29+$0xFED0] =	vst v4;
	v4 =	vor.u32 $0x1C31, v0;
	v11 =	vld.idx.msk [tilespmem:v11+s29+$0x6400], $0xffff;
	v8 =	vmul.f32 $8.000000000e+00, v8  }
0x211: {  	v1 =	vmul.f32 $8.000000000e+00, v1;
	[tilespmem:s29+$0xFF50] =	vst v12;
	v12 =	vor.u32 $0x1C32, v0;
	v7 =	vld.idx.msk [tilespmem:v7+s29+$0x6400], $0xffff  }
0x212: {  	v3 =	vmul.f32 $8.000000000e+00, v3;
	[tilespmem:s29+$0xFFD0] =	vst v8;
	v8 =	vor.u32 $0x1C33, v0;
	v6 =	vld.idx.msk [tilespmem:v6+s29+$0x6400], $0xffff  }
0x213: {  	[tilespmem:s29+$0xFC60] =	vst v1;
	v1 =	vmul.f32 $8.000000000e+00, v9;
	v9 =	vor.u32 $0x1C34, v0;
	v5 =	vld.idx.msk [tilespmem:v5+s29+$0x6400], $0xffff  }
0x214: {  	v2 =	vld.idx.msk [tilespmem:v2+s29+$0x6400], $0xffff;
	[tilespmem:s29+$0xFCE0] =	vst v3;
	v3 =	vmul.f32 $8.000000000e+00, v10;
	v10 =	vor.u32 $0x1C35, v0  }
0x215: {  	v4 =	vld.idx.msk [tilespmem:v4+s29+$0x6400], $0xffff;
	[tilespmem:s29+$0xFD60] =	vst v1;
	v1 =	vmul.f32 $8.000000000e+00, v11;
	v11 =	vor.u32 $0x1C36, v0  }
0x216: {  	v12 =	vld.idx.msk [tilespmem:v12+s29+$0x6400], $0xffff;
	[tilespmem:s29+$0xFDE0] =	vst v3;
	v3 =	vmul.f32 $8.000000000e+00, v7;
	v7 =	vor.u32 $0x1C37, v0  }
0x217: {  	v8 =	vld.idx.msk [tilespmem:v8+s29+$0x6400], $0xffff;
	[tilespmem:s29+$0xFE60] =	vst v1;
	v1 =	vmul.f32 $8.000000000e+00, v6;
	v6 =	vor.u32 $0x38, v0  }
0x218: {  	v9 =	vld.idx.msk [tilespmem:v9+s29+$0x6400], $0xffff;
	[tilespmem:s29+$0xFEE0] =	vst v3;
	v3 =	vmul.f32 $8.000000000e+00, v5;
	v5 =	vor.u32 $0x39, v0  }
0x219: {  	v2 =	vmul.f32 $8.000000000e+00, v2;
	v10 =	vld.idx.msk [tilespmem:v10+s29+$0x6400], $0xffff;
	[tilespmem:s29+$0xFF60] =	vst v1;
	v1 =	vor.u32 $0x3A, v0  }
0x21a: {  	v4 =	vmul.f32 $8.000000000e+00, v4;
	v11 =	vld.idx.msk [tilespmem:v11+s29+$0x6400], $0xffff;
	[tilespmem:s29+$0xFFE0] =	vst v3;
	v3 =	vor.u32 $0x3B, v0  }
0x21b: {  	[tilespmem:s29+$0xFC70] =	vst v2;
	v2 =	vmul.f32 $8.000000000e+00, v12;
	v7 =	vld.idx.msk [tilespmem:v7+s29+$0x6400], $0xffff;
	v12 =	vor.u32 $0x3C, v0  }
0x21c: {  	[tilespmem:s29+$0xFCF0] =	vst v4;
	v4 =	vmul.f32 $8.000000000e+00, v8;
	v6 =	vld.idx.msk [tilespmem:v6+s29+$0x6400], $0xffff;
	v8 =	vor.u32 $0x3D, v0  }
0x21d: {  	[tilespmem:s29+$0xFD70] =	vst v2;
	v2 =	vmul.f32 $8.000000000e+00, v9;
	v5 =	vld.idx.msk [tilespmem:v5+s29+$0x6400], $0xffff;
	v9 =	vor.u32 $0x3E, v0  }
0x21e: {  	[tilespmem:s29+$0xFDF0] =	vst v4;
	v4 =	vmul.f32 $8.000000000e+00, v10;
	v1 =	vld.idx.msk [tilespmem:v1+s29+$0x6400], $0xffff;
	v10 =	vor.u32 $0x3F, v0  }
0x21f: {  	[tilespmem:s29+$0xFE70] =	vst v2;
	v2 =	vmul.f32 $8.000000000e+00, v11;
	v11 =	vor.u32 $0x438, v0;
	v3 =	vld.idx.msk [tilespmem:v3+s29+$0x6400], $0xffff  }
0x220: {  	[tilespmem:s29+$0xFEF0] =	vst v4;
	v4 =	vmul.f32 $8.000000000e+00, v7;
	v7 =	vor.u32 $0x439, v0;
	v12 =	vld.idx.msk [tilespmem:v12+s29+$0x6400], $0xffff  }
0x221: {  	[tilespmem:s29+$0xFF70] =	vst v2;
	v2 =	vmul.f32 $8.000000000e+00, v6;
	v6 =	vor.u32 $0x43A, v0;
	v8 =	vld.idx.msk [tilespmem:v8+s29+$0x6400], $0xffff  }
0x222: {  	[tilespmem:s29+$0xFFF0] =	vst v4;
	v4 =	vmul.f32 $8.000000000e+00, v5;
	v5 =	vor.u32 $0x43B, v0;
	v9 =	vld.idx.msk [tilespmem:v9+s29+$0x6400], $0xffff  }
0x223: {  	[tilespmem:s29+$0x10000] =	vst v2;
	v1 =	vmul.f32 $8.000000000e+00, v1;
	v2 =	vor.u32 $0x43C, v0;
	v10 =	vld.idx.msk [tilespmem:v10+s29+$0x6400], $0xffff  }
0x224: {  	v11 =	vld.idx.msk [tilespmem:v11+s29+$0x6400], $0xffff;
	[tilespmem:s29+$0x10080] =	vst v4;
	v3 =	vmul.f32 $8.000000000e+00, v3;
	v4 =	vor.u32 $0x43D, v0  }
0x225: {  	v7 =	vld.idx.msk [tilespmem:v7+s29+$0x6400], $0xffff;
	[tilespmem:s29+$0x10100] =	vst v1;
	v1 =	vmul.f32 $8.000000000e+00, v12;
	v12 =	vor.u32 $0x43E, v0  }
0x226: {  	v6 =	vld.idx.msk [tilespmem:v6+s29+$0x6400], $0xffff;
	[tilespmem:s29+$0x10180] =	vst v3;
	v3 =	vmul.f32 $8.000000000e+00, v8;
	v8 =	vor.u32 $0x43F, v0  }
0x227: {  	[tilespmem:s29+$0x10200] =	vst v1;
	v1 =	vor.u32 $0x838, v0;
	v5 =	vld.idx.msk [tilespmem:v5+s29+$0x6400], $0xffff;
	v9 =	vmul.f32 $8.000000000e+00, v9  }
0x228: {  	[tilespmem:s29+$0x10280] =	vst v3;
	v3 =	vor.u32 $0x839, v0;
	v2 =	vld.idx.msk [tilespmem:v2+s29+$0x6400], $0xffff;
	v10 =	vmul.f32 $8.000000000e+00, v10  }
0x229: {  	v11 =	vmul.f32 $8.000000000e+00, v11;
	[tilespmem:s29+$0x10300] =	vst v9;
	v9 =	vor.u32 $0x83A, v0;
	v4 =	vld.idx.msk [tilespmem:v4+s29+$0x6400], $0xffff  }
0x22a: {  	v7 =	vmul.f32 $8.000000000e+00, v7;
	[tilespmem:s29+$0x10380] =	vst v10;
	v10 =	vor.u32 $0x83B, v0;
	v12 =	vld.idx.msk [tilespmem:v12+s29+$0x6400], $0xffff  }
0x22b: {  	[tilespmem:s29+$0x10010] =	vst v11;
	v6 =	vmul.f32 $8.000000000e+00, v6;
	v11 =	vor.u32 $0x83C, v0;
	v8 =	vld.idx.msk [tilespmem:v8+s29+$0x6400], $0xffff  }
0x22c: {  	v1 =	vld.idx.msk [tilespmem:v1+s29+$0x6400], $0xffff;
	[tilespmem:s29+$0x10090] =	vst v7;
	v5 =	vmul.f32 $8.000000000e+00, v5;
	v7 =	vor.u32 $0x83D, v0  }
0x22d: {  	v3 =	vld.idx.msk [tilespmem:v3+s29+$0x6400], $0xffff;
	[tilespmem:s29+$0x10110] =	vst v6;
	v2 =	vmul.f32 $8.000000000e+00, v2;
	v6 =	vor.u32 $0x83E, v0  }
0x22e: {  	v9 =	vld.idx.msk [tilespmem:v9+s29+$0x6400], $0xffff;
	[tilespmem:s29+$0x10190] =	vst v5;
	v4 =	vmul.f32 $8.000000000e+00, v4;
	v5 =	vor.u32 $0x83F, v0  }
0x22f: {  	[tilespmem:s29+$0x10210] =	vst v2;
	v2 =	vor.u32 $0xC38, v0;
	v10 =	vld.idx.msk [tilespmem:v10+s29+$0x6400], $0xffff;
	v12 =	vmul.f32 $8.000000000e+00, v12  }
0x230: {  	[tilespmem:s29+$0x10290] =	vst v4;
	v4 =	vor.u32 $0xC39, v0;
	v11 =	vld.idx.msk [tilespmem:v11+s29+$0x6400], $0xffff;
	v8 =	vmul.f32 $8.000000000e+00, v8  }
0x231: {  	v1 =	vmul.f32 $8.000000000e+00, v1;
	[tilespmem:s29+$0x10310] =	vst v12;
	v12 =	vor.u32 $0xC3A, v0;
	v7 =	vld.idx.msk [tilespmem:v7+s29+$0x6400], $0xffff  }
0x232: {  	v3 =	vmul.f32 $8.000000000e+00, v3;
	[tilespmem:s29+$0x10390] =	vst v8;
	v8 =	vor.u32 $0xC3B, v0;
	v6 =	vld.idx.msk [tilespmem:v6+s29+$0x6400], $0xffff  }
0x233: {  	[tilespmem:s29+$0x10020] =	vst v1;
	v1 =	vmul.f32 $8.000000000e+00, v9;
	v9 =	vor.u32 $0xC3C, v0;
	v5 =	vld.idx.msk [tilespmem:v5+s29+$0x6400], $0xffff  }
0x234: {  	v2 =	vld.idx.msk [tilespmem:v2+s29+$0x6400], $0xffff;
	[tilespmem:s29+$0x100A0] =	vst v3;
	v3 =	vmul.f32 $8.000000000e+00, v10;
	v10 =	vor.u32 $0xC3D, v0  }
0x235: {  	v4 =	vld.idx.msk [tilespmem:v4+s29+$0x6400], $0xffff;
	[tilespmem:s29+$0x10120] =	vst v1;
	v1 =	vmul.f32 $8.000000000e+00, v11;
	v11 =	vor.u32 $0xC3E, v0  }
0x236: {  	v12 =	vld.idx.msk [tilespmem:v12+s29+$0x6400], $0xffff;
	[tilespmem:s29+$0x101A0] =	vst v3;
	v3 =	vmul.f32 $8.000000000e+00, v7;
	v7 =	vor.u32 $0xC3F, v0  }
0x237: {  	[tilespmem:s29+$0x10220] =	vst v1;
	v1 =	vor.u32 $0x1038, v0;
	v8 =	vld.idx.msk [tilespmem:v8+s29+$0x6400], $0xffff;
	v6 =	vmul.f32 $8.000000000e+00, v6  }
0x238: {  	[tilespmem:s29+$0x102A0] =	vst v3;
	v3 =	vor.u32 $0x1039, v0;
	v9 =	vld.idx.msk [tilespmem:v9+s29+$0x6400], $0xffff;
	v5 =	vmul.f32 $8.000000000e+00, v5  }
0x239: {  	v2 =	vmul.f32 $8.000000000e+00, v2;
	[tilespmem:s29+$0x10320] =	vst v6;
	v6 =	vor.u32 $0x103A, v0;
	v10 =	vld.idx.msk [tilespmem:v10+s29+$0x6400], $0xffff  }
0x23a: {  	v4 =	vmul.f32 $8.000000000e+00, v4;
	[tilespmem:s29+$0x103A0] =	vst v5;
	v5 =	vor.u32 $0x103B, v0;
	v11 =	vld.idx.msk [tilespmem:v11+s29+$0x6400], $0xffff  }
0x23b: {  	[tilespmem:s29+$0x10030] =	vst v2;
	v2 =	vmul.f32 $8.000000000e+00, v12;
	v12 =	vor.u32 $0x103C, v0;
	v7 =	vld.idx.msk [tilespmem:v7+s29+$0x6400], $0xffff  }
0x23c: {  	v1 =	vld.idx.msk [tilespmem:v1+s29+$0x6400], $0xffff;
	[tilespmem:s29+$0x100B0] =	vst v4;
	v4 =	vmul.f32 $8.000000000e+00, v8;
	v8 =	vor.u32 $0x103D, v0  }
0x23d: {  	v3 =	vld.idx.msk [tilespmem:v3+s29+$0x6400], $0xffff;
	[tilespmem:s29+$0x10130] =	vst v2;
	v2 =	vmul.f32 $8.000000000e+00, v9;
	v9 =	vor.u32 $0x103E, v0  }
0x23e: {  	v6 =	vld.idx.msk [tilespmem:v6+s29+$0x6400], $0xffff;
	[tilespmem:s29+$0x101B0] =	vst v4;
	v4 =	vmul.f32 $8.000000000e+00, v10;
	v10 =	vor.u32 $0x103F, v0  }
0x23f: {  	[tilespmem:s29+$0x10230] =	vst v2;
	v2 =	vor.u32 $0x1438, v0;
	v5 =	vld.idx.msk [tilespmem:v5+s29+$0x6400], $0xffff;
	v11 =	vmul.f32 $8.000000000e+00, v11  }
0x240: {  	[tilespmem:s29+$0x102B0] =	vst v4;
	v4 =	vor.u32 $0x1439, v0;
	v12 =	vld.idx.msk [tilespmem:v12+s29+$0x6400], $0xffff;
	v7 =	vmul.f32 $8.000000000e+00, v7  }
0x241: {  	v1 =	vmul.f32 $8.000000000e+00, v1;
	[tilespmem:s29+$0x10330] =	vst v11;
	v11 =	vor.u32 $0x143A, v0;
	v8 =	vld.idx.msk [tilespmem:v8+s29+$0x6400], $0xffff  }
0x242: {  	v3 =	vmul.f32 $8.000000000e+00, v3;
	[tilespmem:s29+$0x103B0] =	vst v7;
	v7 =	vor.u32 $0x143B, v0;
	v9 =	vld.idx.msk [tilespmem:v9+s29+$0x6400], $0xffff  }
0x243: {  	[tilespmem:s29+$0x10040] =	vst v1;
	v1 =	vmul.f32 $8.000000000e+00, v6;
	v6 =	vor.u32 $0x143C, v0;
	v10 =	vld.idx.msk [tilespmem:v10+s29+$0x6400], $0xffff  }
0x244: {  	v2 =	vld.idx.msk [tilespmem:v2+s29+$0x6400], $0xffff;
	[tilespmem:s29+$0x100C0] =	vst v3;
	v3 =	vmul.f32 $8.000000000e+00, v5;
	v5 =	vor.u32 $0x143D, v0  }
0x245: {  	v4 =	vld.idx.msk [tilespmem:v4+s29+$0x6400], $0xffff;
	[tilespmem:s29+$0x10140] =	vst v1;
	v1 =	vmul.f32 $8.000000000e+00, v12;
	v12 =	vor.u32 $0x143E, v0  }
0x246: {  	v11 =	vld.idx.msk [tilespmem:v11+s29+$0x6400], $0xffff;
	[tilespmem:s29+$0x101C0] =	vst v3;
	v3 =	vmul.f32 $8.000000000e+00, v8;
	v8 =	vor.u32 $0x143F, v0  }
0x247: {  	[tilespmem:s29+$0x10240] =	vst v1;
	v1 =	vor.u32 $0x1838, v0;
	v7 =	vld.idx.msk [tilespmem:v7+s29+$0x6400], $0xffff;
	v9 =	vmul.f32 $8.000000000e+00, v9  }
0x248: {  	[tilespmem:s29+$0x102C0] =	vst v3;
	v3 =	vor.u32 $0x1839, v0;
	v6 =	vld.idx.msk [tilespmem:v6+s29+$0x6400], $0xffff;
	v10 =	vmul.f32 $8.000000000e+00, v10  }
0x249: {  	v2 =	vmul.f32 $8.000000000e+00, v2;
	[tilespmem:s29+$0x10340] =	vst v9;
	v9 =	vor.u32 $0x183A, v0;
	v5 =	vld.idx.msk [tilespmem:v5+s29+$0x6400], $0xffff  }
0x24a: {  	v4 =	vmul.f32 $8.000000000e+00, v4;
	[tilespmem:s29+$0x103C0] =	vst v10;
	v10 =	vor.u32 $0x183B, v0;
	v12 =	vld.idx.msk [tilespmem:v12+s29+$0x6400], $0xffff  }
0x24b: {  	[tilespmem:s29+$0x10050] =	vst v2;
	v2 =	vmul.f32 $8.000000000e+00, v11;
	v11 =	vor.u32 $0x183C, v0;
	v8 =	vld.idx.msk [tilespmem:v8+s29+$0x6400], $0xffff  }
0x24c: {  	v1 =	vld.idx.msk [tilespmem:v1+s29+$0x6400], $0xffff;
	[tilespmem:s29+$0x100D0] =	vst v4;
	v4 =	vmul.f32 $8.000000000e+00, v7;
	v7 =	vor.u32 $0x183D, v0  }
0x24d: {  	v3 =	vld.idx.msk [tilespmem:v3+s29+$0x6400], $0xffff;
	[tilespmem:s29+$0x10150] =	vst v2;
	v2 =	vmul.f32 $8.000000000e+00, v6;
	v6 =	vor.u32 $0x183E, v0  }
0x24e: {  	v9 =	vld.idx.msk [tilespmem:v9+s29+$0x6400], $0xffff;
	[tilespmem:s29+$0x101D0] =	vst v4;
	v4 =	vmul.f32 $8.000000000e+00, v5;
	v5 =	vor.u32 $0x183F, v0  }
0x24f: {  	[tilespmem:s29+$0x10250] =	vst v2;
	v2 =	vor.u32 $0x1C38, v0;
	v10 =	vld.idx.msk [tilespmem:v10+s29+$0x6400], $0xffff;
	v12 =	vmul.f32 $8.000000000e+00, v12  }
0x250: {  	[tilespmem:s29+$0x102D0] =	vst v4;
	v4 =	vor.u32 $0x1C39, v0;
	v11 =	vld.idx.msk [tilespmem:v11+s29+$0x6400], $0xffff;
	v8 =	vmul.f32 $8.000000000e+00, v8  }
0x251: {  	v1 =	vmul.f32 $8.000000000e+00, v1;
	[tilespmem:s29+$0x10350] =	vst v12;
	v12 =	vor.u32 $0x1C3A, v0;
	v7 =	vld.idx.msk [tilespmem:v7+s29+$0x6400], $0xffff  }
0x252: {  	v3 =	vmul.f32 $8.000000000e+00, v3;
	[tilespmem:s29+$0x103D0] =	vst v8;
	v8 =	vor.u32 $0x1C3B, v0;
	v6 =	vld.idx.msk [tilespmem:v6+s29+$0x6400], $0xffff  }
0x253: {  	[tilespmem:s29+$0x10060] =	vst v1;
	v1 =	vmul.f32 $8.000000000e+00, v9;
	v9 =	vor.u32 $0x1C3C, v0;
	v5 =	vld.idx.msk [tilespmem:v5+s29+$0x6400], $0xffff  }
0x254: {  	v2 =	vld.idx.msk [tilespmem:v2+s29+$0x6400], $0xffff;
	[tilespmem:s29+$0x100E0] =	vst v3;
	v3 =	vmul.f32 $8.000000000e+00, v10;
	v10 =	vor.u32 $0x1C3D, v0  }
0x255: {  	v4 =	vld.idx.msk [tilespmem:v4+s29+$0x6400], $0xffff;
	[tilespmem:s29+$0x10160] =	vst v1;
	v1 =	vmul.f32 $8.000000000e+00, v11;
	v11 =	vor.u32 $0x1C3E, v0  }
0x256: {  	v12 =	vld.idx.msk [tilespmem:v12+s29+$0x6400], $0xffff;
	[tilespmem:s29+$0x101E0] =	vst v3;
	v3 =	vmul.f32 $8.000000000e+00, v7;
	v7 =	vor.u32 $0x1C3F, v0  }
0x257: {  	[tilespmem:s29+$0x10260] =	vst v1;
	v1 =	vld.idx.msk [tilespmem:v8+s29+$0x6400], $0xffff;
	v6 =	vmul.f32 $8.000000000e+00, v6  }
0x258: {  	[tilespmem:s29+$0x102E0] =	vst v3;
	v3 =	vld.idx.msk [tilespmem:v9+s29+$0x6400], $0xffff;
	v5 =	vmul.f32 $8.000000000e+00, v5  }
0x259: {  	[tilespmem:s29+$0x10360] =	vst v6;
	v2 =	vmul.f32 $8.000000000e+00, v2;
	v6 =	vld.idx.msk [tilespmem:v10+s29+$0x6400], $0xffff  }
0x25a: {  	[tilespmem:s29+$0x103E0] =	vst v5;
	v4 =	vmul.f32 $8.000000000e+00, v4;
	v5 =	vld.idx.msk [tilespmem:v11+s29+$0x6400], $0xffff  }
0x25b: {  	[tilespmem:s29+$0x10070] =	vst v2;
	v2 =	vmul.f32 $8.000000000e+00, v12;
	v7 =	vld.idx.msk [tilespmem:v7+s29+$0x6400], $0xffff  }
0x25c: {  	[tilespmem:s29+$0x100F0] =	vst v4;
	v1 =	vmul.f32 $8.000000000e+00, v1  }
0x25d: {  	[tilespmem:s29+$0x10170] =	vst v2;
	v2 =	vmul.f32 $8.000000000e+00, v3  }
0x25e: {  	[tilespmem:s29+$0x101F0] =	vst v1;
	v1 =	vmul.f32 $8.000000000e+00, v6  }
0x25f: {  	s30 =	sand.u32 $0x3F80, s25;
	[tilespmem:s29+$0x10270] =	vst v2;
	v2 =	vmul.f32 $8.000000000e+00, v5  }
0x260: {  	s31 =	sand.u32 $0xFFE0000, s24;
	s30 =	sadd.s32 s2, s30;
	[tilespmem:s29+$0x102F0] =	vst v1;
	v1 =	vmul.f32 $8.000000000e+00, v7  }
0x261: {  	s30 =	sadd.s32 s31, s30;
	p0 =	sgt.u32 s26, $0xC4;
	[tilespmem:s29+$0x10370] =	vst v2  }
0x262: {  	s28 =	sadd.s32 $0x5, s28;
	s26 =	sand.u32 @!p0 $0x3, s22;
	[tilespmem:s29+$0x103F0] =	vst v1;
	s29 =	sadd.s32 $0xE400, s29  }
0x263: {  	[hbm4b:s30+s15] =	stream.strided.scatter [tilespmem:s29], [sflag:s28], $0x2000, s16, s15, $0x38;
	[tilespmem:$0x16400] =	vst v63  }
0x264: {  	s22 =	sadd.s32 $0x1, s22;
	s28 =	sshll.u32 @!p0 s26, $0xD  }
0x265: {  	v8 =	vld [tilespmem:$0x1FFB0];
	s26 =	sadd.s32 @!p0 $0x1, s26;
	s29 =	simm.s32 @!p0 $0x80;
	s28 =	sadd.s32 @!p0 $0x6400, s28  }
0x266: {  	v9 =	vld [tilespmem:$0x1FFC0];
	[tilespmem:s28], [sflag:s26] =	stream.indirect.gather @!p0 [hbm4b:s4+s29], $0x40, s23, s29, $0xb8  }
0x267: {  	v10 =	vmov v13;
	v13 =	vmov v17;
	v17 =	vld [tilespmem:$0x1FFE0];
	p0 =	sne.s32 s22, $0xCB  }
.Ltmp0:
0x268: {  	v11 =	vmov v15;
	v15 =	vmov v19;
	v19 =	vld [tilespmem:$0x1FFF0];
	(pc) =	sbr.rel @p0 .LBB2_2-.Ltmp0, $4  }
0x269: {  	v12 =	vld [tilespmem:$0x1FFD0]  }
0x26a: {  	v4 =	vld [tilespmem:$0x1FFA0]  }
0x26b: {  	v3 =	vld [tilespmem:$0x1FF90]  }
0x26c: {  	s25 =	sadd.s32 $0x80, s25;
	s24 =	sadd.s32 $0x400, s24;
	v2 =	vld [tilespmem:$0x1FF80];
	s23 =	sadd.s32 $0x80, s23  }
0x26d: {  	_ =	swait.ge [sflag:s17], $0x2000  }
0x26e: {  	[sflag:s17] =	ssyncset.done $0x0  }
0x26f: {  	[sflag:s17] =	ssyncadd.s32 $0xFFFFE000  }
0x270: {  	_ =	swait.ge [sflag:s18], $0x2000  }
0x271: {  	[sflag:s18] =	ssyncset.done $0x0  }
0x272: {  	s21 =	sadd.s32 $0x1, s21;
	[sflag:s18] =	ssyncadd.s32 $0xFFFFE000  }
0x273: {  	p0 =	sne.s32 s21, s6;
	_ =	swait.ge [sflag:s19], $0x2000  }
.Ltmp1:
0x274: {  	[sflag:s19] =	ssyncset.done $0x0;
	(pc) =	sbr.rel @p0 .LBB2_1-.Ltmp1, $4  }
0x275: {  	[sflag:s19] =	ssyncadd.s32 $0xFFFFE000  }
0x276: {  	_ =	swait.ge [sflag:s20], $0x2000  }
0x277: {  	[sflag:s20] =	ssyncset.done $0x0  }
0x278: {  	[sflag:s20] =	ssyncadd.s32 $0xFFFFE000  }
0x279: {  	_ =	sfence.sel $0x180000  }
0x27a: {  	[bflag:$0x0] =	sbarrier.arrive $0xFFFF  }
0x27b: {  	p0 =	sne.s32 s0, $0x0;
	_ =	strace $0x90000047  }
0x27c: {  	s0 =	sadd.s32 @!p0 $0x100000, s1;
	[bflag:$0x2] =	sbarrier.arrive $0xFFFF  }
0x27d: {  	[sflag:s0] =	ssyncadd.tile.s32 @!p0 $0x1;
	_ =	shalt  }
.Lfunc_end2:
_tile_overlayer_lowered:
.L_overlay_start_2:
0x27e: {  	(tag) =	ssettag $0x2  }
0x27f: {  	s0 =	rddreg [dreg:$0x0];
	s2 =	stileid.u32  }
0x280: {  	s1 =	rddreg [dreg:$0x1];
	p0 =	sne.s32 s2, $0x0  }
0x281: {  	s3 =	rddreg [dreg:$0x2];
	[bflag:$0x3] =	sbarrier.arrive $0xFFFF;
	s2 =	simm.s32 @!p0 $0x1C09  }
0x282: {  	[timem:s3], [sflag:s2] =	dma.local @!p0 [hbm:s0], s1  }
0x283: {  	s0 =	simm.s32 @!p0 $0x9  }
0x284: {  	_ =	swait.ge @!p0 [sflag:s0], s1  }
0x285: {  	s1 =	ssub.s32 @!p0 $0x0, s1;
	[sflag:s0] =	ssyncset.done @!p0 $0x0  }
0x286: {  	[sflag:s0] =	ssyncadd.s32 @!p0 s1  }
0x287: {  	[bflag:$0x3] =	sbarrier.arrive $0xFFFF  }
0x288: {  	_ =	shalt  }

</sc_bundles>
